<compile_context>
chip_gen: v7x
topology: tpu7x:2x2x1
jax: 0.10.2.dev20260603
libtpu: 0.0.44.dev20260713+nightly
codegen_flags: <defaults>
</compile_context>

<pallas_src>
import functools

import jax
import jax.numpy as jnp
from jax import lax
from jax.experimental import pallas as pl
from jax.experimental.pallas import tpu as pltpu
from jax.experimental.pallas import tpu_sc as plsc

_N_EDGES = 320000
_D_EDGE = 16
_TC_ROWS = 160000
_SC_ROWS = _N_EDGES - _TC_ROWS
_NC = 2
_NS = 16
_NW = _NC * _NS
_ROWS_PER_W = _SC_ROWS // _NW
_CHUNK = 200
_NCHUNK = _ROWS_PER_W // _CHUNK

_TC_GRID = 80
_NODE_STEPS = 10


@functools.partial(
    pl.kernel,
    mesh=plsc.VectorSubcoreMesh(core_axis_name="c", subcore_axis_name="s"),
    out_type=jax.ShapeDtypeStruct((_SC_ROWS, _D_EDGE), jnp.float32),
    scratch_types=[
        pltpu.VMEM((_CHUNK, _D_EDGE), jnp.float32),
        pltpu.VMEM((_CHUNK, _D_EDGE), jnp.float32),
        pltpu.SemaphoreType.DMA,
        pltpu.SemaphoreType.DMA,
        pltpu.SemaphoreType.DMA,
        pltpu.SemaphoreType.DMA,
    ],
)
def _edge_copy_sc(edge_hbm, out_hbm, buf0, buf1, gs0, gs1, ss0, ss1):
    wid = lax.axis_index("s") * _NC + lax.axis_index("c")
    base = _TC_ROWS + wid * _ROWS_PER_W

    bufs = (buf0, buf1)
    gsems = (gs0, gs1)
    ssems = (ss0, ss1)

    def src(k):
        return edge_hbm.at[pl.ds(base + k * _CHUNK, _CHUNK), :]

    def dst(k):
        return out_hbm.at[pl.ds(base - _TC_ROWS + k * _CHUNK, _CHUNK), :]

    gathers = [None] * _NCHUNK
    scatters = [None] * _NCHUNK
    gathers[0] = pltpu.async_copy(src(0), bufs[0], gsems[0])
    for k in range(_NCHUNK):
        b = k % 2
        gathers[k].wait()
        scatters[k] = pltpu.async_copy(bufs[b], dst(k), ssems[b])
        if k + 1 < _NCHUNK:
            if k >= 1:
                scatters[k - 1].wait()
            nb = (k + 1) % 2
            gathers[k + 1] = pltpu.async_copy(src(k + 1), bufs[nb], gsems[nb])
    scatters[_NCHUNK - 2].wait()
    scatters[_NCHUNK - 1].wait()


def _tc_copy_body(node_ref, edge_ref, node_out_ref, edge_out_ref):
    edge_out_ref[...] = edge_ref[...]

    @pl.when(pl.program_id(0) < _NODE_STEPS)
    def _():
        node_out_ref[...] = node_ref[...]


def kernel(node_feats, edge_index, edge_attr):
    n_nodes, d_feat = node_feats.shape
    nb = n_nodes // _NODE_STEPS
    eb = _TC_ROWS // _TC_GRID

    def node_idx(i):
        return (jnp.minimum(i, _NODE_STEPS - 1), 0)

    edge_hi_out = _edge_copy_sc(edge_attr)

    node_out, edge_lo_out = pl.pallas_call(
        _tc_copy_body,
        grid=(_TC_GRID,),
        in_specs=[
            pl.BlockSpec((nb, d_feat), node_idx),
            pl.BlockSpec((eb, _D_EDGE), lambda i: (i, 0)),
        ],
        out_specs=[
            pl.BlockSpec((nb, d_feat), node_idx),
            pl.BlockSpec((eb, _D_EDGE), lambda i: (i, 0)),
        ],
        out_shape=[
            jax.ShapeDtypeStruct((n_nodes, d_feat), node_feats.dtype),
            jax.ShapeDtypeStruct((_TC_ROWS, _D_EDGE), edge_attr.dtype),
        ],
    )(node_feats, edge_attr)
    edge_out = jnp.concatenate([edge_lo_out, edge_hi_out], axis=0)
    return (node_out, edge_out)

# --- scband reference (transcript-rebuilt; emitter-appended) ---
"""Pipeline reference for scband-meta-layer-67044439490697 (READ-ONLY COPY).

The authoritative reference and input builder live on the scoring server;
editing this copy changes nothing except your own understanding.
"""

import jax, jax.numpy as jnp
import numpy as np

N_NODES = 10000
N_EDGES = 320000
D_FEAT = 128
D_EDGE = 16


def setup_inputs(seed: int = 0) -> dict:
    key = jax.random.key(seed)
    k1, k2, k3 = jax.random.split(key, 3)
    node_feats = jax.random.normal(k1, (N_NODES, D_FEAT), dtype=jnp.float32)
    edge_index = jax.random.randint(k2, (2, N_EDGES), 0, N_NODES, dtype=jnp.int32)
    edge_attr = jax.random.normal(k3, (N_EDGES, D_EDGE), dtype=jnp.float32)
    return {"node_feats": node_feats, "edge_index": edge_index, "edge_attr": edge_attr}


def reference(node_feats, edge_index, edge_attr):
    # MetaLayer with node_model=None and edge_model=None (the constructor defaults):
    # both residual branches are skipped, so the forward pass is the identity
    # on (node_feats, edge_attr). edge_index is accepted but unused.
    return (node_feats, edge_attr)

if __name__ == "__main__":
    import jax
    _d = setup_inputs()
    print(jax.jit(kernel)(*tuple(_d.values())))

</pallas_src>

<mosaic_0001>
#map = affine_map<(d0, d1) -> (0, 0)>
module attributes {stable_mosaic.version = 14 : i64} {
  func.func @_edge_copy_sc(%arg0: i32, %arg1: i32, %arg2: memref<320000x16xf32, #tpu.memory_space<hbm>>, %arg3: memref<160000x16xf32, #tpu.memory_space<hbm>>, %arg4: memref<200x16xf32, #tpu.memory_space<vmem>>, %arg5: memref<200x16xf32, #tpu.memory_space<vmem>>, %arg6: memref<!tpu.dma_semaphore, #tpu.memory_space<semaphore_mem>>, %arg7: memref<!tpu.dma_semaphore, #tpu.memory_space<semaphore_mem>>, %arg8: memref<!tpu.dma_semaphore, #tpu.memory_space<semaphore_mem>>, %arg9: memref<!tpu.dma_semaphore, #tpu.memory_space<semaphore_mem>>) attributes {dimension_semantics = [#tpu.dimension_semantics<core_parallel>, #tpu.dimension_semantics<subcore_parallel>], iteration_bounds = array<i64: 2, 16>, scalar_prefetch = 0 : i64, scratch_operands = 6 : i64, tpu.core_type = #tpu.core_type<sc_vector_subcore>, window_params = [{transform_indices = #map}, {transform_indices = #map}]} {
    %mul3A = arith.constant 2 : i32
    %mul3A_0 = arith.muli %arg1, %mul3A : i32
    %add3A = arith.addi %mul3A_0, %arg0 : i32
    %mul3A_1 = arith.constant 5000 : i32
    %mul3A_2 = arith.muli %add3A, %mul3A_1 : i32
    %add3A_3 = arith.constant 160000 : i32
    %add3A_4 = arith.addi %add3A_3, %mul3A_2 : i32
    %add3A_5 = arith.constant 0 : i32
    %add3A_6 = arith.addi %add3A_4, %add3A_5 : i32
    %dma_start3A = arith.constant 0 : i32
    %dma_start3A_7 = tpu.memref_slice %arg2[%add3A_6, %dma_start3A] : memref<320000x16xf32, #tpu.memory_space<hbm>> -> memref<200x16xf32, #tpu.memory_space<hbm>>
    %dma_start3A_8 = arith.constant 0 : i32
    %dma_start3A_9 = tpu.memref_slice %arg2[%add3A_6, %dma_start3A_8] : memref<320000x16xf32, #tpu.memory_space<hbm>> -> memref<200x16xf32, #tpu.memory_space<hbm>>
    tpu.enqueue_dma source(%dma_start3A_9 : memref<200x16xf32, #tpu.memory_space<hbm>>) target(%arg4 : memref<200x16xf32, #tpu.memory_space<vmem>>) target_semaphore(%arg6 : memref<!tpu.dma_semaphore, #tpu.memory_space<semaphore_mem>>)
    %dma_wait3A = arith.constant 0 : i32
    %dma_wait3A_10 = tpu.memref_slice %arg2[%add3A_6, %dma_wait3A] : memref<320000x16xf32, #tpu.memory_space<hbm>> -> memref<200x16xf32, #tpu.memory_space<hbm>>
    %dma_wait3A_11 = arith.constant 0 : i32
    %dma_wait3A_12 = tpu.memref_slice %arg2[%add3A_6, %dma_wait3A_11] : memref<320000x16xf32, #tpu.memory_space<hbm>> -> memref<200x16xf32, #tpu.memory_space<hbm>>
    tpu.wait_dma2 semaphore(%arg6 : memref<!tpu.dma_semaphore, #tpu.memory_space<semaphore_mem>>) src(%dma_wait3A_12 : memref<200x16xf32, #tpu.memory_space<hbm>>) dst(%arg4 : memref<200x16xf32, #tpu.memory_space<vmem>>)
    %sub3A = arith.constant 160000 : i32
    %sub3A_13 = arith.subi %add3A_4, %sub3A : i32
    %add3A_14 = arith.constant 0 : i32
    %add3A_15 = arith.addi %sub3A_13, %add3A_14 : i32
    %dma_start3A_16 = arith.constant 0 : i32
    %dma_start3A_17 = tpu.memref_slice %arg3[%add3A_15, %dma_start3A_16] : memref<160000x16xf32, #tpu.memory_space<hbm>> -> memref<200x16xf32, #tpu.memory_space<hbm>>
    %dma_start3A_18 = arith.constant 0 : i32
    %dma_start3A_19 = tpu.memref_slice %arg3[%add3A_15, %dma_start3A_18] : memref<160000x16xf32, #tpu.memory_space<hbm>> -> memref<200x16xf32, #tpu.memory_space<hbm>>
    tpu.enqueue_dma source(%arg4 : memref<200x16xf32, #tpu.memory_space<vmem>>) target(%dma_start3A_19 : memref<200x16xf32, #tpu.memory_space<hbm>>) target_semaphore(%arg8 : memref<!tpu.dma_semaphore, #tpu.memory_space<semaphore_mem>>)
    %add3A_20 = arith.constant 200 : i32
    %add3A_21 = arith.addi %add3A_4, %add3A_20 : i32
    %dma_start3A_22 = arith.constant 0 : i32
    %dma_start3A_23 = tpu.memref_slice %arg2[%add3A_21, %dma_start3A_22] : memref<320000x16xf32, #tpu.memory_space<hbm>> -> memref<200x16xf32, #tpu.memory_space<hbm>>
    %dma_start3A_24 = arith.constant 0 : i32
    %dma_start3A_25 = tpu.memref_slice %arg2[%add3A_21, %dma_start3A_24] : memref<320000x16xf32, #tpu.memory_space<hbm>> -> memref<200x16xf32, #tpu.memory_space<hbm>>
    tpu.enqueue_dma source(%dma_start3A_25 : memref<200x16xf32, #tpu.memory_space<hbm>>) target(%arg5 : memref<200x16xf32, #tpu.memory_space<vmem>>) target_semaphore(%arg7 : memref<!tpu.dma_semaphore, #tpu.memory_space<semaphore_mem>>)
    %dma_wait3A_26 = arith.constant 0 : i32
    %dma_wait3A_27 = tpu.memref_slice %arg2[%add3A_21, %dma_wait3A_26] : memref<320000x16xf32, #tpu.memory_space<hbm>> -> memref<200x16xf32, #tpu.memory_space<hbm>>
    %dma_wait3A_28 = arith.constant 0 : i32
    %dma_wait3A_29 = tpu.memref_slice %arg2[%add3A_21, %dma_wait3A_28] : memref<320000x16xf32, #tpu.memory_space<hbm>> -> memref<200x16xf32, #tpu.memory_space<hbm>>
    tpu.wait_dma2 semaphore(%arg7 : memref<!tpu.dma_semaphore, #tpu.memory_space<semaphore_mem>>) src(%dma_wait3A_29 : memref<200x16xf32, #tpu.memory_space<hbm>>) dst(%arg5 : memref<200x16xf32, #tpu.memory_space<vmem>>)
    %sub3A_30 = arith.constant 160000 : i32
    %sub3A_31 = arith.subi %add3A_4, %sub3A_30 : i32
    %add3A_32 = arith.constant 200 : i32
    %add3A_33 = arith.addi %sub3A_31, %add3A_32 : i32
    %dma_start3A_34 = arith.constant 0 : i32
    %dma_start3A_35 = tpu.memref_slice %arg3[%add3A_33, %dma_start3A_34] : memref<160000x16xf32, #tpu.memory_space<hbm>> -> memref<200x16xf32, #tpu.memory_space<hbm>>
    %dma_start3A_36 = arith.constant 0 : i32
    %dma_start3A_37 = tpu.memref_slice %arg3[%add3A_33, %dma_start3A_36] : memref<160000x16xf32, #tpu.memory_space<hbm>> -> memref<200x16xf32, #tpu.memory_space<hbm>>
    tpu.enqueue_dma source(%arg5 : memref<200x16xf32, #tpu.memory_space<vmem>>) target(%dma_start3A_37 : memref<200x16xf32, #tpu.memory_space<hbm>>) target_semaphore(%arg9 : memref<!tpu.dma_semaphore, #tpu.memory_space<semaphore_mem>>)
    %dma_wait3A_38 = arith.constant 0 : i32
    %dma_wait3A_39 = tpu.memref_slice %arg3[%add3A_15, %dma_wait3A_38] : memref<160000x16xf32, #tpu.memory_space<hbm>> -> memref<200x16xf32, #tpu.memory_space<hbm>>
    %dma_wait3A_40 = arith.constant 0 : i32
    %dma_wait3A_41 = tpu.memref_slice %arg3[%add3A_15, %dma_wait3A_40] : memref<160000x16xf32, #tpu.memory_space<hbm>> -> memref<200x16xf32, #tpu.memory_space<hbm>>
    tpu.wait_dma2 semaphore(%arg8 : memref<!tpu.dma_semaphore, #tpu.memory_space<semaphore_mem>>) src(%arg4 : memref<200x16xf32, #tpu.memory_space<vmem>>) dst(%dma_wait3A_41 : memref<200x16xf32, #tpu.memory_space<hbm>>)
    %add3A_42 = arith.constant 400 : i32
    %add3A_43 = arith.addi %add3A_4, %add3A_42 : i32
    %dma_start3A_44 = arith.constant 0 : i32
    %dma_start3A_45 = tpu.memref_slice %arg2[%add3A_43, %dma_start3A_44] : memref<320000x16xf32, #tpu.memory_space<hbm>> -> memref<200x16xf32, #tpu.memory_space<hbm>>
    %dma_start3A_46 = arith.constant 0 : i32
    %dma_start3A_47 = tpu.memref_slice %arg2[%add3A_43, %dma_start3A_46] : memref<320000x16xf32, #tpu.memory_space<hbm>> -> memref<200x16xf32, #tpu.memory_space<hbm>>
    tpu.enqueue_dma source(%dma_start3A_47 : memref<200x16xf32, #tpu.memory_space<hbm>>) target(%arg4 : memref<200x16xf32, #tpu.memory_space<vmem>>) target_semaphore(%arg6 : memref<!tpu.dma_semaphore, #tpu.memory_space<semaphore_mem>>)
    %dma_wait3A_48 = arith.constant 0 : i32
    %dma_wait3A_49 = tpu.memref_slice %arg2[%add3A_43, %dma_wait3A_48] : memref<320000x16xf32, #tpu.memory_space<hbm>> -> memref<200x16xf32, #tpu.memory_space<hbm>>
    %dma_wait3A_50 = arith.constant 0 : i32
    %dma_wait3A_51 = tpu.memref_slice %arg2[%add3A_43, %dma_wait3A_50] : memref<320000x16xf32, #tpu.memory_space<hbm>> -> memref<200x16xf32, #tpu.memory_space<hbm>>
    tpu.wait_dma2 semaphore(%arg6 : memref<!tpu.dma_semaphore, #tpu.memory_space<semaphore_mem>>) src(%dma_wait3A_51 : memref<200x16xf32, #tpu.memory_space<hbm>>) dst(%arg4 : memref<200x16xf32, #tpu.memory_space<vmem>>)
    %sub3A_52 = arith.constant 160000 : i32
    %sub3A_53 = arith.subi %add3A_4, %sub3A_52 : i32
    %add3A_54 = arith.constant 400 : i32
    %add3A_55 = arith.addi %sub3A_53, %add3A_54 : i32
    %dma_start3A_56 = arith.constant 0 : i32
    %dma_start3A_57 = tpu.memref_slice %arg3[%add3A_55, %dma_start3A_56] : memref<160000x16xf32, #tpu.memory_space<hbm>> -> memref<200x16xf32, #tpu.memory_space<hbm>>
    %dma_start3A_58 = arith.constant 0 : i32
    %dma_start3A_59 = tpu.memref_slice %arg3[%add3A_55, %dma_start3A_58] : memref<160000x16xf32, #tpu.memory_space<hbm>> -> memref<200x16xf32, #tpu.memory_space<hbm>>
    tpu.enqueue_dma source(%arg4 : memref<200x16xf32, #tpu.memory_space<vmem>>) target(%dma_start3A_59 : memref<200x16xf32, #tpu.memory_space<hbm>>) target_semaphore(%arg8 : memref<!tpu.dma_semaphore, #tpu.memory_space<semaphore_mem>>)
    %dma_wait3A_60 = arith.constant 0 : i32
    %dma_wait3A_61 = tpu.memref_slice %arg3[%add3A_33, %dma_wait3A_60] : memref<160000x16xf32, #tpu.memory_space<hbm>> -> memref<200x16xf32, #tpu.memory_space<hbm>>
    %dma_wait3A_62 = arith.constant 0 : i32
    %dma_wait3A_63 = tpu.memref_slice %arg3[%add3A_33, %dma_wait3A_62] : memref<160000x16xf32, #tpu.memory_space<hbm>> -> memref<200x16xf32, #tpu.memory_space<hbm>>
    tpu.wait_dma2 semaphore(%arg9 : memref<!tpu.dma_semaphore, #tpu.memory_space<semaphore_mem>>) src(%arg5 : memref<200x16xf32, #tpu.memory_space<vmem>>) dst(%dma_wait3A_63 : memref<200x16xf32, #tpu.memory_space<hbm>>)
    %add3A_64 = arith.constant 600 : i32
    %add3A_65 = arith.addi %add3A_4, %add3A_64 : i32
    %dma_start3A_66 = arith.constant 0 : i32
    %dma_start3A_67 = tpu.memref_slice %arg2[%add3A_65, %dma_start3A_66] : memref<320000x16xf32, #tpu.memory_space<hbm>> -> memref<200x16xf32, #tpu.memory_space<hbm>>
    %dma_start3A_68 = arith.constant 0 : i32
    %dma_start3A_69 = tpu.memref_slice %arg2[%add3A_65, %dma_start3A_68] : memref<320000x16xf32, #tpu.memory_space<hbm>> -> memref<200x16xf32, #tpu.memory_space<hbm>>
    tpu.enqueue_dma source(%dma_start3A_69 : memref<200x16xf32, #tpu.memory_space<hbm>>) target(%arg5 : memref<200x16xf32, #tpu.memory_space<vmem>>) target_semaphore(%arg7 : memref<!tpu.dma_semaphore, #tpu.memory_space<semaphore_mem>>)
    %dma_wait3A_70 = arith.constant 0 : i32
    %dma_wait3A_71 = tpu.memref_slice %arg2[%add3A_65, %dma_wait3A_70] : memref<320000x16xf32, #tpu.memory_space<hbm>> -> memref<200x16xf32, #tpu.memory_space<hbm>>
    %dma_wait3A_72 = arith.constant 0 : i32
    %dma_wait3A_73 = tpu.memref_slice %arg2[%add3A_65, %dma_wait3A_72] : memref<320000x16xf32, #tpu.memory_space<hbm>> -> memref<200x16xf32, #tpu.memory_space<hbm>>
    tpu.wait_dma2 semaphore(%arg7 : memref<!tpu.dma_semaphore, #tpu.memory_space<semaphore_mem>>) src(%dma_wait3A_73 : memref<200x16xf32, #tpu.memory_space<hbm>>) dst(%arg5 : memref<200x16xf32, #tpu.memory_space<vmem>>)
    %sub3A_74 = arith.constant 160000 : i32
    %sub3A_75 = arith.subi %add3A_4, %sub3A_74 : i32
    %add3A_76 = arith.constant 600 : i32
    %add3A_77 = arith.addi %sub3A_75, %add3A_76 : i32
    %dma_start3A_78 = arith.constant 0 : i32
    %dma_start3A_79 = tpu.memref_slice %arg3[%add3A_77, %dma_start3A_78] : memref<160000x16xf32, #tpu.memory_space<hbm>> -> memref<200x16xf32, #tpu.memory_space<hbm>>
    %dma_start3A_80 = arith.constant 0 : i32
    %dma_start3A_81 = tpu.memref_slice %arg3[%add3A_77, %dma_start3A_80] : memref<160000x16xf32, #tpu.memory_space<hbm>> -> memref<200x16xf32, #tpu.memory_space<hbm>>
    tpu.enqueue_dma source(%arg5 : memref<200x16xf32, #tpu.memory_space<vmem>>) target(%dma_start3A_81 : memref<200x16xf32, #tpu.memory_space<hbm>>) target_semaphore(%arg9 : memref<!tpu.dma_semaphore, #tpu.memory_space<semaphore_mem>>)
    %dma_wait3A_82 = arith.constant 0 : i32
    %dma_wait3A_83 = tpu.memref_slice %arg3[%add3A_55, %dma_wait3A_82] : memref<160000x16xf32, #tpu.memory_space<hbm>> -> memref<200x16xf32, #tpu.memory_space<hbm>>
    %dma_wait3A_84 = arith.constant 0 : i32
    %dma_wait3A_85 = tpu.memref_slice %arg3[%add3A_55, %dma_wait3A_84] : memref<160000x16xf32, #tpu.memory_space<hbm>> -> memref<200x16xf32, #tpu.memory_space<hbm>>
    tpu.wait_dma2 semaphore(%arg8 : memref<!tpu.dma_semaphore, #tpu.memory_space<semaphore_mem>>) src(%arg4 : memref<200x16xf32, #tpu.memory_space<vmem>>) dst(%dma_wait3A_85 : memref<200x16xf32, #tpu.memory_space<hbm>>)
    %add3A_86 = arith.constant 800 : i32
    %add3A_87 = arith.addi %add3A_4, %add3A_86 : i32
    %dma_start3A_88 = arith.constant 0 : i32
    %dma_start3A_89 = tpu.memref_slice %arg2[%add3A_87, %dma_start3A_88] : memref<320000x16xf32, #tpu.memory_space<hbm>> -> memref<200x16xf32, #tpu.memory_space<hbm>>
    %dma_start3A_90 = arith.constant 0 : i32
    %dma_start3A_91 = tpu.memref_slice %arg2[%add3A_87, %dma_start3A_90] : memref<320000x16xf32, #tpu.memory_space<hbm>> -> memref<200x16xf32, #tpu.memory_space<hbm>>
    tpu.enqueue_dma source(%dma_start3A_91 : memref<200x16xf32, #tpu.memory_space<hbm>>) target(%arg4 : memref<200x16xf32, #tpu.memory_space<vmem>>) target_semaphore(%arg6 : memref<!tpu.dma_semaphore, #tpu.memory_space<semaphore_mem>>)
    %dma_wait3A_92 = arith.constant 0 : i32
    %dma_wait3A_93 = tpu.memref_slice %arg2[%add3A_87, %dma_wait3A_92] : memref<320000x16xf32, #tpu.memory_space<hbm>> -> memref<200x16xf32, #tpu.memory_space<hbm>>
    %dma_wait3A_94 = arith.constant 0 : i32
    %dma_wait3A_95 = tpu.memref_slice %arg2[%add3A_87, %dma_wait3A_94] : memref<320000x16xf32, #tpu.memory_space<hbm>> -> memref<200x16xf32, #tpu.memory_space<hbm>>
    tpu.wait_dma2 semaphore(%arg6 : memref<!tpu.dma_semaphore, #tpu.memory_space<semaphore_mem>>) src(%dma_wait3A_95 : memref<200x16xf32, #tpu.memory_space<hbm>>) dst(%arg4 : memref<200x16xf32, #tpu.memory_space<vmem>>)
    %sub3A_96 = arith.constant 160000 : i32
    %sub3A_97 = arith.subi %add3A_4, %sub3A_96 : i32
    %add3A_98 = arith.constant 800 : i32
    %add3A_99 = arith.addi %sub3A_97, %add3A_98 : i32
    %dma_start3A_100 = arith.constant 0 : i32
    %dma_start3A_101 = tpu.memref_slice %arg3[%add3A_99, %dma_start3A_100] : memref<160000x16xf32, #tpu.memory_space<hbm>> -> memref<200x16xf32, #tpu.memory_space<hbm>>
    %dma_start3A_102 = arith.constant 0 : i32
    %dma_start3A_103 = tpu.memref_slice %arg3[%add3A_99, %dma_start3A_102] : memref<160000x16xf32, #tpu.memory_space<hbm>> -> memref<200x16xf32, #tpu.memory_space<hbm>>
    tpu.enqueue_dma source(%arg4 : memref<200x16xf32, #tpu.memory_space<vmem>>) target(%dma_start3A_103 : memref<200x16xf32, #tpu.memory_space<hbm>>) target_semaphore(%arg8 : memref<!tpu.dma_semaphore, #tpu.memory_space<semaphore_mem>>)
    %dma_wait3A_104 = arith.constant 0 : i32
    %dma_wait3A_105 = tpu.memref_slice %arg3[%add3A_77, %dma_wait3A_104] : memref<160000x16xf32, #tpu.memory_space<hbm>> -> memref<200x16xf32, #tpu.memory_space<hbm>>
    %dma_wait3A_106 = arith.constant 0 : i32
    %dma_wait3A_107 = tpu.memref_slice %arg3[%add3A_77, %dma_wait3A_106] : memref<160000x16xf32, #tpu.memory_space<hbm>> -> memref<200x16xf32, #tpu.memory_space<hbm>>
    tpu.wait_dma2 semaphore(%arg9 : memref<!tpu.dma_semaphore, #tpu.memory_space<semaphore_mem>>) src(%arg5 : memref<200x16xf32, #tpu.memory_space<vmem>>) dst(%dma_wait3A_107 : memref<200x16xf32, #tpu.memory_space<hbm>>)
    %add3A_108 = arith.constant 1000 : i32
    %add3A_109 = arith.addi %add3A_4, %add3A_108 : i32
    %dma_start3A_110 = arith.constant 0 : i32
    %dma_start3A_111 = tpu.memref_slice %arg2[%add3A_109, %dma_start3A_110] : memref<320000x16xf32, #tpu.memory_space<hbm>> -> memref<200x16xf32, #tpu.memory_space<hbm>>
    %dma_start3A_112 = arith.constant 0 : i32
    %dma_start3A_113 = tpu.memref_slice %arg2[%add3A_109, %dma_start3A_112] : memref<320000x16xf32, #tpu.memory_space<hbm>> -> memref<200x16xf32, #tpu.memory_space<hbm>>
    tpu.enqueue_dma source(%dma_start3A_113 : memref<200x16xf32, #tpu.memory_space<hbm>>) target(%arg5 : memref<200x16xf32, #tpu.memory_space<vmem>>) target_semaphore(%arg7 : memref<!tpu.dma_semaphore, #tpu.memory_space<semaphore_mem>>)
    %dma_wait3A_114 = arith.constant 0 : i32
    %dma_wait3A_115 = tpu.memref_slice %arg2[%add3A_109, %dma_wait3A_114] : memref<320000x16xf32, #tpu.memory_space<hbm>> -> memref<200x16xf32, #tpu.memory_space<hbm>>
    %dma_wait3A_116 = arith.constant 0 : i32
    %dma_wait3A_117 = tpu.memref_slice %arg2[%add3A_109, %dma_wait3A_116] : memref<320000x16xf32, #tpu.memory_space<hbm>> -> memref<200x16xf32, #tpu.memory_space<hbm>>
    tpu.wait_dma2 semaphore(%arg7 : memref<!tpu.dma_semaphore, #tpu.memory_space<semaphore_mem>>) src(%dma_wait3A_117 : memref<200x16xf32, #tpu.memory_space<hbm>>) dst(%arg5 : memref<200x16xf32, #tpu.memory_space<vmem>>)
    %sub3A_118 = arith.constant 160000 : i32
    %sub3A_119 = arith.subi %add3A_4, %sub3A_118 : i32
    %add3A_120 = arith.constant 1000 : i32
    %add3A_121 = arith.addi %sub3A_119, %add3A_120 : i32
    %dma_start3A_122 = arith.constant 0 : i32
    %dma_start3A_123 = tpu.memref_slice %arg3[%add3A_121, %dma_start3A_122] : memref<160000x16xf32, #tpu.memory_space<hbm>> -> memref<200x16xf32, #tpu.memory_space<hbm>>
    %dma_start3A_124 = arith.constant 0 : i32
    %dma_start3A_125 = tpu.memref_slice %arg3[%add3A_121, %dma_start3A_124] : memref<160000x16xf32, #tpu.memory_space<hbm>> -> memref<200x16xf32, #tpu.memory_space<hbm>>
    tpu.enqueue_dma source(%arg5 : memref<200x16xf32, #tpu.memory_space<vmem>>) target(%dma_start3A_125 : memref<200x16xf32, #tpu.memory_space<hbm>>) target_semaphore(%arg9 : memref<!tpu.dma_semaphore, #tpu.memory_space<semaphore_mem>>)
    %dma_wait3A_126 = arith.constant 0 : i32
    %dma_wait3A_127 = tpu.memref_slice %arg3[%add3A_99, %dma_wait3A_126] : memref<160000x16xf32, #tpu.memory_space<hbm>> -> memref<200x16xf32, #tpu.memory_space<hbm>>
    %dma_wait3A_128 = arith.constant 0 : i32
    %dma_wait3A_129 = tpu.memref_slice %arg3[%add3A_99, %dma_wait3A_128] : memref<160000x16xf32, #tpu.memory_space<hbm>> -> memref<200x16xf32, #tpu.memory_space<hbm>>
    tpu.wait_dma2 semaphore(%arg8 : memref<!tpu.dma_semaphore, #tpu.memory_space<semaphore_mem>>) src(%arg4 : memref<200x16xf32, #tpu.memory_space<vmem>>) dst(%dma_wait3A_129 : memref<200x16xf32, #tpu.memory_space<hbm>>)
    %add3A_130 = arith.constant 1200 : i32
    %add3A_131 = arith.addi %add3A_4, %add3A_130 : i32
    %dma_start3A_132 = arith.constant 0 : i32
    %dma_start3A_133 = tpu.memref_slice %arg2[%add3A_131, %dma_start3A_132] : memref<320000x16xf32, #tpu.memory_space<hbm>> -> memref<200x16xf32, #tpu.memory_space<hbm>>
    %dma_start3A_134 = arith.constant 0 : i32
    %dma_start3A_135 = tpu.memref_slice %arg2[%add3A_131, %dma_start3A_134] : memref<320000x16xf32, #tpu.memory_space<hbm>> -> memref<200x16xf32, #tpu.memory_space<hbm>>
    tpu.enqueue_dma source(%dma_start3A_135 : memref<200x16xf32, #tpu.memory_space<hbm>>) target(%arg4 : memref<200x16xf32, #tpu.memory_space<vmem>>) target_semaphore(%arg6 : memref<!tpu.dma_semaphore, #tpu.memory_space<semaphore_mem>>)
    %dma_wait3A_136 = arith.constant 0 : i32
    %dma_wait3A_137 = tpu.memref_slice %arg2[%add3A_131, %dma_wait3A_136] : memref<320000x16xf32, #tpu.memory_space<hbm>> -> memref<200x16xf32, #tpu.memory_space<hbm>>
    %dma_wait3A_138 = arith.constant 0 : i32
    %dma_wait3A_139 = tpu.memref_slice %arg2[%add3A_131, %dma_wait3A_138] : memref<320000x16xf32, #tpu.memory_space<hbm>> -> memref<200x16xf32, #tpu.memory_space<hbm>>
    tpu.wait_dma2 semaphore(%arg6 : memref<!tpu.dma_semaphore, #tpu.memory_space<semaphore_mem>>) src(%dma_wait3A_139 : memref<200x16xf32, #tpu.memory_space<hbm>>) dst(%arg4 : memref<200x16xf32, #tpu.memory_space<vmem>>)
    %sub3A_140 = arith.constant 160000 : i32
    %sub3A_141 = arith.subi %add3A_4, %sub3A_140 : i32
    %add3A_142 = arith.constant 1200 : i32
    %add3A_143 = arith.addi %sub3A_141, %add3A_142 : i32
    %dma_start3A_144 = arith.constant 0 : i32
    %dma_start3A_145 = tpu.memref_slice %arg3[%add3A_143, %dma_start3A_144] : memref<160000x16xf32, #tpu.memory_space<hbm>> -> memref<200x16xf32, #tpu.memory_space<hbm>>
    %dma_start3A_146 = arith.constant 0 : i32
    %dma_start3A_147 = tpu.memref_slice %arg3[%add3A_143, %dma_start3A_146] : memref<160000x16xf32, #tpu.memory_space<hbm>> -> memref<200x16xf32, #tpu.memory_space<hbm>>
    tpu.enqueue_dma source(%arg4 : memref<200x16xf32, #tpu.memory_space<vmem>>) target(%dma_start3A_147 : memref<200x16xf32, #tpu.memory_space<hbm>>) target_semaphore(%arg8 : memref<!tpu.dma_semaphore, #tpu.memory_space<semaphore_mem>>)
    %dma_wait3A_148 = arith.constant 0 : i32
    %dma_wait3A_149 = tpu.memref_slice %arg3[%add3A_121, %dma_wait3A_148] : memref<160000x16xf32, #tpu.memory_space<hbm>> -> memref<200x16xf32, #tpu.memory_space<hbm>>
    %dma_wait3A_150 = arith.constant 0 : i32
    %dma_wait3A_151 = tpu.memref_slice %arg3[%add3A_121, %dma_wait3A_150] : memref<160000x16xf32, #tpu.memory_space<hbm>> -> memref<200x16xf32, #tpu.memory_space<hbm>>
    tpu.wait_dma2 semaphore(%arg9 : memref<!tpu.dma_semaphore, #tpu.memory_space<semaphore_mem>>) src(%arg5 : memref<200x16xf32, #tpu.memory_space<vmem>>) dst(%dma_wait3A_151 : memref<200x16xf32, #tpu.memory_space<hbm>>)
    %add3A_152 = arith.constant 1400 : i32
    %add3A_153 = arith.addi %add3A_4, %add3A_152 : i32
    %dma_start3A_154 = arith.constant 0 : i32
    %dma_start3A_155 = tpu.memref_slice %arg2[%add3A_153, %dma_start3A_154] : memref<320000x16xf32, #tpu.memory_space<hbm>> -> memref<200x16xf32, #tpu.memory_space<hbm>>
    %dma_start3A_156 = arith.constant 0 : i32
    %dma_start3A_157 = tpu.memref_slice %arg2[%add3A_153, %dma_start3A_156] : memref<320000x16xf32, #tpu.memory_space<hbm>> -> memref<200x16xf32, #tpu.memory_space<hbm>>
    tpu.enqueue_dma source(%dma_start3A_157 : memref<200x16xf32, #tpu.memory_space<hbm>>) target(%arg5 : memref<200x16xf32, #tpu.memory_space<vmem>>) target_semaphore(%arg7 : memref<!tpu.dma_semaphore, #tpu.memory_space<semaphore_mem>>)
    %dma_wait3A_158 = arith.constant 0 : i32
    %dma_wait3A_159 = tpu.memref_slice %arg2[%add3A_153, %dma_wait3A_158] : memref<320000x16xf32, #tpu.memory_space<hbm>> -> memref<200x16xf32, #tpu.memory_space<hbm>>
    %dma_wait3A_160 = arith.constant 0 : i32
    %dma_wait3A_161 = tpu.memref_slice %arg2[%add3A_153, %dma_wait3A_160] : memref<320000x16xf32, #tpu.memory_space<hbm>> -> memref<200x16xf32, #tpu.memory_space<hbm>>
    tpu.wait_dma2 semaphore(%arg7 : memref<!tpu.dma_semaphore, #tpu.memory_space<semaphore_mem>>) src(%dma_wait3A_161 : memref<200x16xf32, #tpu.memory_space<hbm>>) dst(%arg5 : memref<200x16xf32, #tpu.memory_space<vmem>>)
    %sub3A_162 = arith.constant 160000 : i32
    %sub3A_163 = arith.subi %add3A_4, %sub3A_162 : i32
    %add3A_164 = arith.constant 1400 : i32
    %add3A_165 = arith.addi %sub3A_163, %add3A_164 : i32
    %dma_start3A_166 = arith.constant 0 : i32
    %dma_start3A_167 = tpu.memref_slice %arg3[%add3A_165, %dma_start3A_166] : memref<160000x16xf32, #tpu.memory_space<hbm>> -> memref<200x16xf32, #tpu.memory_space<hbm>>
    %dma_start3A_168 = arith.constant 0 : i32
    %dma_start3A_169 = tpu.memref_slice %arg3[%add3A_165, %dma_start3A_168] : memref<160000x16xf32, #tpu.memory_space<hbm>> -> memref<200x16xf32, #tpu.memory_space<hbm>>
    tpu.enqueue_dma source(%arg5 : memref<200x16xf32, #tpu.memory_space<vmem>>) target(%dma_start3A_169 : memref<200x16xf32, #tpu.memory_space<hbm>>) target_semaphore(%arg9 : memref<!tpu.dma_semaphore, #tpu.memory_space<semaphore_mem>>)
    %dma_wait3A_170 = arith.constant 0 : i32
    %dma_wait3A_171 = tpu.memref_slice %arg3[%add3A_143, %dma_wait3A_170] : memref<160000x16xf32, #tpu.memory_space<hbm>> -> memref<200x16xf32, #tpu.memory_space<hbm>>
    %dma_wait3A_172 = arith.constant 0 : i32
    %dma_wait3A_173 = tpu.memref_slice %arg3[%add3A_143, %dma_wait3A_172] : memref<160000x16xf32, #tpu.memory_space<hbm>> -> memref<200x16xf32, #tpu.memory_space<hbm>>
    tpu.wait_dma2 semaphore(%arg8 : memref<!tpu.dma_semaphore, #tpu.memory_space<semaphore_mem>>) src(%arg4 : memref<200x16xf32, #tpu.memory_space<vmem>>) dst(%dma_wait3A_173 : memref<200x16xf32, #tpu.memory_space<hbm>>)
    %add3A_174 = arith.constant 1600 : i32
    %add3A_175 = arith.addi %add3A_4, %add3A_174 : i32
    %dma_start3A_176 = arith.constant 0 : i32
    %dma_start3A_177 = tpu.memref_slice %arg2[%add3A_175, %dma_start3A_176] : memref<320000x16xf32, #tpu.memory_space<hbm>> -> memref<200x16xf32, #tpu.memory_space<hbm>>
    %dma_start3A_178 = arith.constant 0 : i32
    %dma_start3A_179 = tpu.memref_slice %arg2[%add3A_175, %dma_start3A_178] : memref<320000x16xf32, #tpu.memory_space<hbm>> -> memref<200x16xf32, #tpu.memory_space<hbm>>
    tpu.enqueue_dma source(%dma_start3A_179 : memref<200x16xf32, #tpu.memory_space<hbm>>) target(%arg4 : memref<200x16xf32, #tpu.memory_space<vmem>>) target_semaphore(%arg6 : memref<!tpu.dma_semaphore, #tpu.memory_space<semaphore_mem>>)
    %dma_wait3A_180 = arith.constant 0 : i32
    %dma_wait3A_181 = tpu.memref_slice %arg2[%add3A_175, %dma_wait3A_180] : memref<320000x16xf32, #tpu.memory_space<hbm>> -> memref<200x16xf32, #tpu.memory_space<hbm>>
    %dma_wait3A_182 = arith.constant 0 : i32
    %dma_wait3A_183 = tpu.memref_slice %arg2[%add3A_175, %dma_wait3A_182] : memref<320000x16xf32, #tpu.memory_space<hbm>> -> memref<200x16xf32, #tpu.memory_space<hbm>>
    tpu.wait_dma2 semaphore(%arg6 : memref<!tpu.dma_semaphore, #tpu.memory_space<semaphore_mem>>) src(%dma_wait3A_183 : memref<200x16xf32, #tpu.memory_space<hbm>>) dst(%arg4 : memref<200x16xf32, #tpu.memory_space<vmem>>)
    %sub3A_184 = arith.constant 160000 : i32
    %sub3A_185 = arith.subi %add3A_4, %sub3A_184 : i32
    %add3A_186 = arith.constant 1600 : i32
    %add3A_187 = arith.addi %sub3A_185, %add3A_186 : i32
    %dma_start3A_188 = arith.constant 0 : i32
    %dma_start3A_189 = tpu.memref_slice %arg3[%add3A_187, %dma_start3A_188] : memref<160000x16xf32, #tpu.memory_space<hbm>> -> memref<200x16xf32, #tpu.memory_space<hbm>>
    %dma_start3A_190 = arith.constant 0 : i32
    %dma_start3A_191 = tpu.memref_slice %arg3[%add3A_187, %dma_start3A_190] : memref<160000x16xf32, #tpu.memory_space<hbm>> -> memref<200x16xf32, #tpu.memory_space<hbm>>
    tpu.enqueue_dma source(%arg4 : memref<200x16xf32, #tpu.memory_space<vmem>>) target(%dma_start3A_191 : memref<200x16xf32, #tpu.memory_space<hbm>>) target_semaphore(%arg8 : memref<!tpu.dma_semaphore, #tpu.memory_space<semaphore_mem>>)
    %dma_wait3A_192 = arith.constant 0 : i32
    %dma_wait3A_193 = tpu.memref_slice %arg3[%add3A_165, %dma_wait3A_192] : memref<160000x16xf32, #tpu.memory_space<hbm>> -> memref<200x16xf32, #tpu.memory_space<hbm>>
    %dma_wait3A_194 = arith.constant 0 : i32
    %dma_wait3A_195 = tpu.memref_slice %arg3[%add3A_165, %dma_wait3A_194] : memref<160000x16xf32, #tpu.memory_space<hbm>> -> memref<200x16xf32, #tpu.memory_space<hbm>>
    tpu.wait_dma2 semaphore(%arg9 : memref<!tpu.dma_semaphore, #tpu.memory_space<semaphore_mem>>) src(%arg5 : memref<200x16xf32, #tpu.memory_space<vmem>>) dst(%dma_wait3A_195 : memref<200x16xf32, #tpu.memory_space<hbm>>)
    %add3A_196 = arith.constant 1800 : i32
    %add3A_197 = arith.addi %add3A_4, %add3A_196 : i32
    %dma_start3A_198 = arith.constant 0 : i32
    %dma_start3A_199 = tpu.memref_slice %arg2[%add3A_197, %dma_start3A_198] : memref<320000x16xf32, #tpu.memory_space<hbm>> -> memref<200x16xf32, #tpu.memory_space<hbm>>
    %dma_start3A_200 = arith.constant 0 : i32
    %dma_start3A_201 = tpu.memref_slice %arg2[%add3A_197, %dma_start3A_200] : memref<320000x16xf32, #tpu.memory_space<hbm>> -> memref<200x16xf32, #tpu.memory_space<hbm>>
    tpu.enqueue_dma source(%dma_start3A_201 : memref<200x16xf32, #tpu.memory_space<hbm>>) target(%arg5 : memref<200x16xf32, #tpu.memory_space<vmem>>) target_semaphore(%arg7 : memref<!tpu.dma_semaphore, #tpu.memory_space<semaphore_mem>>)
    %dma_wait3A_202 = arith.constant 0 : i32
    %dma_wait3A_203 = tpu.memref_slice %arg2[%add3A_197, %dma_wait3A_202] : memref<320000x16xf32, #tpu.memory_space<hbm>> -> memref<200x16xf32, #tpu.memory_space<hbm>>
    %dma_wait3A_204 = arith.constant 0 : i32
    %dma_wait3A_205 = tpu.memref_slice %arg2[%add3A_197, %dma_wait3A_204] : memref<320000x16xf32, #tpu.memory_space<hbm>> -> memref<200x16xf32, #tpu.memory_space<hbm>>
    tpu.wait_dma2 semaphore(%arg7 : memref<!tpu.dma_semaphore, #tpu.memory_space<semaphore_mem>>) src(%dma_wait3A_205 : memref<200x16xf32, #tpu.memory_space<hbm>>) dst(%arg5 : memref<200x16xf32, #tpu.memory_space<vmem>>)
    %sub3A_206 = arith.constant 160000 : i32
    %sub3A_207 = arith.subi %add3A_4, %sub3A_206 : i32
    %add3A_208 = arith.constant 1800 : i32
    %add3A_209 = arith.addi %sub3A_207, %add3A_208 : i32
    %dma_start3A_210 = arith.constant 0 : i32
    %dma_start3A_211 = tpu.memref_slice %arg3[%add3A_209, %dma_start3A_210] : memref<160000x16xf32, #tpu.memory_space<hbm>> -> memref<200x16xf32, #tpu.memory_space<hbm>>
    %dma_start3A_212 = arith.constant 0 : i32
    %dma_start3A_213 = tpu.memref_slice %arg3[%add3A_209, %dma_start3A_212] : memref<160000x16xf32, #tpu.memory_space<hbm>> -> memref<200x16xf32, #tpu.memory_space<hbm>>
    tpu.enqueue_dma source(%arg5 : memref<200x16xf32, #tpu.memory_space<vmem>>) target(%dma_start3A_213 : memref<200x16xf32, #tpu.memory_space<hbm>>) target_semaphore(%arg9 : memref<!tpu.dma_semaphore, #tpu.memory_space<semaphore_mem>>)
    %dma_wait3A_214 = arith.constant 0 : i32
    %dma_wait3A_215 = tpu.memref_slice %arg3[%add3A_187, %dma_wait3A_214] : memref<160000x16xf32, #tpu.memory_space<hbm>> -> memref<200x16xf32, #tpu.memory_space<hbm>>
    %dma_wait3A_216 = arith.constant 0 : i32
    %dma_wait3A_217 = tpu.memref_slice %arg3[%add3A_187, %dma_wait3A_216] : memref<160000x16xf32, #tpu.memory_space<hbm>> -> memref<200x16xf32, #tpu.memory_space<hbm>>
    tpu.wait_dma2 semaphore(%arg8 : memref<!tpu.dma_semaphore, #tpu.memory_space<semaphore_mem>>) src(%arg4 : memref<200x16xf32, #tpu.memory_space<vmem>>) dst(%dma_wait3A_217 : memref<200x16xf32, #tpu.memory_space<hbm>>)
    %add3A_218 = arith.constant 2000 : i32
    %add3A_219 = arith.addi %add3A_4, %add3A_218 : i32
    %dma_start3A_220 = arith.constant 0 : i32
    %dma_start3A_221 = tpu.memref_slice %arg2[%add3A_219, %dma_start3A_220] : memref<320000x16xf32, #tpu.memory_space<hbm>> -> memref<200x16xf32, #tpu.memory_space<hbm>>
    %dma_start3A_222 = arith.constant 0 : i32
    %dma_start3A_223 = tpu.memref_slice %arg2[%add3A_219, %dma_start3A_222] : memref<320000x16xf32, #tpu.memory_space<hbm>> -> memref<200x16xf32, #tpu.memory_space<hbm>>
    tpu.enqueue_dma source(%dma_start3A_223 : memref<200x16xf32, #tpu.memory_space<hbm>>) target(%arg4 : memref<200x16xf32, #tpu.memory_space<vmem>>) target_semaphore(%arg6 : memref<!tpu.dma_semaphore, #tpu.memory_space<semaphore_mem>>)
    %dma_wait3A_224 = arith.constant 0 : i32
    %dma_wait3A_225 = tpu.memref_slice %arg2[%add3A_219, %dma_wait3A_224] : memref<320000x16xf32, #tpu.memory_space<hbm>> -> memref<200x16xf32, #tpu.memory_space<hbm>>
    %dma_wait3A_226 = arith.constant 0 : i32
    %dma_wait3A_227 = tpu.memref_slice %arg2[%add3A_219, %dma_wait3A_226] : memref<320000x16xf32, #tpu.memory_space<hbm>> -> memref<200x16xf32, #tpu.memory_space<hbm>>
    tpu.wait_dma2 semaphore(%arg6 : memref<!tpu.dma_semaphore, #tpu.memory_space<semaphore_mem>>) src(%dma_wait3A_227 : memref<200x16xf32, #tpu.memory_space<hbm>>) dst(%arg4 : memref<200x16xf32, #tpu.memory_space<vmem>>)
    %sub3A_228 = arith.constant 160000 : i32
    %sub3A_229 = arith.subi %add3A_4, %sub3A_228 : i32
    %add3A_230 = arith.constant 2000 : i32
    %add3A_231 = arith.addi %sub3A_229, %add3A_230 : i32
    %dma_start3A_232 = arith.constant 0 : i32
    %dma_start3A_233 = tpu.memref_slice %arg3[%add3A_231, %dma_start3A_232] : memref<160000x16xf32, #tpu.memory_space<hbm>> -> memref<200x16xf32, #tpu.memory_space<hbm>>
    %dma_start3A_234 = arith.constant 0 : i32
    %dma_start3A_235 = tpu.memref_slice %arg3[%add3A_231, %dma_start3A_234] : memref<160000x16xf32, #tpu.memory_space<hbm>> -> memref<200x16xf32, #tpu.memory_space<hbm>>
    tpu.enqueue_dma source(%arg4 : memref<200x16xf32, #tpu.memory_space<vmem>>) target(%dma_start3A_235 : memref<200x16xf32, #tpu.memory_space<hbm>>) target_semaphore(%arg8 : memref<!tpu.dma_semaphore, #tpu.memory_space<semaphore_mem>>)
    %dma_wait3A_236 = arith.constant 0 : i32
    %dma_wait3A_237 = tpu.memref_slice %arg3[%add3A_209, %dma_wait3A_236] : memref<160000x16xf32, #tpu.memory_space<hbm>> -> memref<200x16xf32, #tpu.memory_space<hbm>>
    %dma_wait3A_238 = arith.constant 0 : i32
    %dma_wait3A_239 = tpu.memref_slice %arg3[%add3A_209, %dma_wait3A_238] : memref<160000x16xf32, #tpu.memory_space<hbm>> -> memref<200x16xf32, #tpu.memory_space<hbm>>
    tpu.wait_dma2 semaphore(%arg9 : memref<!tpu.dma_semaphore, #tpu.memory_space<semaphore_mem>>) src(%arg5 : memref<200x16xf32, #tpu.memory_space<vmem>>) dst(%dma_wait3A_239 : memref<200x16xf32, #tpu.memory_space<hbm>>)
    %add3A_240 = arith.constant 2200 : i32
    %add3A_241 = arith.addi %add3A_4, %add3A_240 : i32
    %dma_start3A_242 = arith.constant 0 : i32
    %dma_start3A_243 = tpu.memref_slice %arg2[%add3A_241, %dma_start3A_242] : memref<320000x16xf32, #tpu.memory_space<hbm>> -> memref<200x16xf32, #tpu.memory_space<hbm>>
    %dma_start3A_244 = arith.constant 0 : i32
    %dma_start3A_245 = tpu.memref_slice %arg2[%add3A_241, %dma_start3A_244] : memref<320000x16xf32, #tpu.memory_space<hbm>> -> memref<200x16xf32, #tpu.memory_space<hbm>>
    tpu.enqueue_dma source(%dma_start3A_245 : memref<200x16xf32, #tpu.memory_space<hbm>>) target(%arg5 : memref<200x16xf32, #tpu.memory_space<vmem>>) target_semaphore(%arg7 : memref<!tpu.dma_semaphore, #tpu.memory_space<semaphore_mem>>)
    %dma_wait3A_246 = arith.constant 0 : i32
    %dma_wait3A_247 = tpu.memref_slice %arg2[%add3A_241, %dma_wait3A_246] : memref<320000x16xf32, #tpu.memory_space<hbm>> -> memref<200x16xf32, #tpu.memory_space<hbm>>
    %dma_wait3A_248 = arith.constant 0 : i32
    %dma_wait3A_249 = tpu.memref_slice %arg2[%add3A_241, %dma_wait3A_248] : memref<320000x16xf32, #tpu.memory_space<hbm>> -> memref<200x16xf32, #tpu.memory_space<hbm>>
    tpu.wait_dma2 semaphore(%arg7 : memref<!tpu.dma_semaphore, #tpu.memory_space<semaphore_mem>>) src(%dma_wait3A_249 : memref<200x16xf32, #tpu.memory_space<hbm>>) dst(%arg5 : memref<200x16xf32, #tpu.memory_space<vmem>>)
    %sub3A_250 = arith.constant 160000 : i32
    %sub3A_251 = arith.subi %add3A_4, %sub3A_250 : i32
    %add3A_252 = arith.constant 2200 : i32
    %add3A_253 = arith.addi %sub3A_251, %add3A_252 : i32
    %dma_start3A_254 = arith.constant 0 : i32
    %dma_start3A_255 = tpu.memref_slice %arg3[%add3A_253, %dma_start3A_254] : memref<160000x16xf32, #tpu.memory_space<hbm>> -> memref<200x16xf32, #tpu.memory_space<hbm>>
    %dma_start3A_256 = arith.constant 0 : i32
    %dma_start3A_257 = tpu.memref_slice %arg3[%add3A_253, %dma_start3A_256] : memref<160000x16xf32, #tpu.memory_space<hbm>> -> memref<200x16xf32, #tpu.memory_space<hbm>>
    tpu.enqueue_dma source(%arg5 : memref<200x16xf32, #tpu.memory_space<vmem>>) target(%dma_start3A_257 : memref<200x16xf32, #tpu.memory_space<hbm>>) target_semaphore(%arg9 : memref<!tpu.dma_semaphore, #tpu.memory_space<semaphore_mem>>)
    %dma_wait3A_258 = arith.constant 0 : i32
    %dma_wait3A_259 = tpu.memref_slice %arg3[%add3A_231, %dma_wait3A_258] : memref<160000x16xf32, #tpu.memory_space<hbm>> -> memref<200x16xf32, #tpu.memory_space<hbm>>
    %dma_wait3A_260 = arith.constant 0 : i32
    %dma_wait3A_261 = tpu.memref_slice %arg3[%add3A_231, %dma_wait3A_260] : memref<160000x16xf32, #tpu.memory_space<hbm>> -> memref<200x16xf32, #tpu.memory_space<hbm>>
    tpu.wait_dma2 semaphore(%arg8 : memref<!tpu.dma_semaphore, #tpu.memory_space<semaphore_mem>>) src(%arg4 : memref<200x16xf32, #tpu.memory_space<vmem>>) dst(%dma_wait3A_261 : memref<200x16xf32, #tpu.memory_space<hbm>>)
    %add3A_262 = arith.constant 2400 : i32
    %add3A_263 = arith.addi %add3A_4, %add3A_262 : i32
    %dma_start3A_264 = arith.constant 0 : i32
    %dma_start3A_265 = tpu.memref_slice %arg2[%add3A_263, %dma_start3A_264] : memref<320000x16xf32, #tpu.memory_space<hbm>> -> memref<200x16xf32, #tpu.memory_space<hbm>>
    %dma_start3A_266 = arith.constant 0 : i32
    %dma_start3A_267 = tpu.memref_slice %arg2[%add3A_263, %dma_start3A_266] : memref<320000x16xf32, #tpu.memory_space<hbm>> -> memref<200x16xf32, #tpu.memory_space<hbm>>
    tpu.enqueue_dma source(%dma_start3A_267 : memref<200x16xf32, #tpu.memory_space<hbm>>) target(%arg4 : memref<200x16xf32, #tpu.memory_space<vmem>>) target_semaphore(%arg6 : memref<!tpu.dma_semaphore, #tpu.memory_space<semaphore_mem>>)
    %dma_wait3A_268 = arith.constant 0 : i32
    %dma_wait3A_269 = tpu.memref_slice %arg2[%add3A_263, %dma_wait3A_268] : memref<320000x16xf32, #tpu.memory_space<hbm>> -> memref<200x16xf32, #tpu.memory_space<hbm>>
    %dma_wait3A_270 = arith.constant 0 : i32
    %dma_wait3A_271 = tpu.memref_slice %arg2[%add3A_263, %dma_wait3A_270] : memref<320000x16xf32, #tpu.memory_space<hbm>> -> memref<200x16xf32, #tpu.memory_space<hbm>>
    tpu.wait_dma2 semaphore(%arg6 : memref<!tpu.dma_semaphore, #tpu.memory_space<semaphore_mem>>) src(%dma_wait3A_271 : memref<200x16xf32, #tpu.memory_space<hbm>>) dst(%arg4 : memref<200x16xf32, #tpu.memory_space<vmem>>)
    %sub3A_272 = arith.constant 160000 : i32
    %sub3A_273 = arith.subi %add3A_4, %sub3A_272 : i32
    %add3A_274 = arith.constant 2400 : i32
    %add3A_275 = arith.addi %sub3A_273, %add3A_274 : i32
    %dma_start3A_276 = arith.constant 0 : i32
    %dma_start3A_277 = tpu.memref_slice %arg3[%add3A_275, %dma_start3A_276] : memref<160000x16xf32, #tpu.memory_space<hbm>> -> memref<200x16xf32, #tpu.memory_space<hbm>>
    %dma_start3A_278 = arith.constant 0 : i32
    %dma_start3A_279 = tpu.memref_slice %arg3[%add3A_275, %dma_start3A_278] : memref<160000x16xf32, #tpu.memory_space<hbm>> -> memref<200x16xf32, #tpu.memory_space<hbm>>
    tpu.enqueue_dma source(%arg4 : memref<200x16xf32, #tpu.memory_space<vmem>>) target(%dma_start3A_279 : memref<200x16xf32, #tpu.memory_space<hbm>>) target_semaphore(%arg8 : memref<!tpu.dma_semaphore, #tpu.memory_space<semaphore_mem>>)
    %dma_wait3A_280 = arith.constant 0 : i32
    %dma_wait3A_281 = tpu.memref_slice %arg3[%add3A_253, %dma_wait3A_280] : memref<160000x16xf32, #tpu.memory_space<hbm>> -> memref<200x16xf32, #tpu.memory_space<hbm>>
    %dma_wait3A_282 = arith.constant 0 : i32
    %dma_wait3A_283 = tpu.memref_slice %arg3[%add3A_253, %dma_wait3A_282] : memref<160000x16xf32, #tpu.memory_space<hbm>> -> memref<200x16xf32, #tpu.memory_space<hbm>>
    tpu.wait_dma2 semaphore(%arg9 : memref<!tpu.dma_semaphore, #tpu.memory_space<semaphore_mem>>) src(%arg5 : memref<200x16xf32, #tpu.memory_space<vmem>>) dst(%dma_wait3A_283 : memref<200x16xf32, #tpu.memory_space<hbm>>)
    %add3A_284 = arith.constant 2600 : i32
    %add3A_285 = arith.addi %add3A_4, %add3A_284 : i32
    %dma_start3A_286 = arith.constant 0 : i32
    %dma_start3A_287 = tpu.memref_slice %arg2[%add3A_285, %dma_start3A_286] : memref<320000x16xf32, #tpu.memory_space<hbm>> -> memref<200x16xf32, #tpu.memory_space<hbm>>
    %dma_start3A_288 = arith.constant 0 : i32
    %dma_start3A_289 = tpu.memref_slice %arg2[%add3A_285, %dma_start3A_288] : memref<320000x16xf32, #tpu.memory_space<hbm>> -> memref<200x16xf32, #tpu.memory_space<hbm>>
    tpu.enqueue_dma source(%dma_start3A_289 : memref<200x16xf32, #tpu.memory_space<hbm>>) target(%arg5 : memref<200x16xf32, #tpu.memory_space<vmem>>) target_semaphore(%arg7 : memref<!tpu.dma_semaphore, #tpu.memory_space<semaphore_mem>>)
    %dma_wait3A_290 = arith.constant 0 : i32
    %dma_wait3A_291 = tpu.memref_slice %arg2[%add3A_285, %dma_wait3A_290] : memref<320000x16xf32, #tpu.memory_space<hbm>> -> memref<200x16xf32, #tpu.memory_space<hbm>>
    %dma_wait3A_292 = arith.constant 0 : i32
    %dma_wait3A_293 = tpu.memref_slice %arg2[%add3A_285, %dma_wait3A_292] : memref<320000x16xf32, #tpu.memory_space<hbm>> -> memref<200x16xf32, #tpu.memory_space<hbm>>
    tpu.wait_dma2 semaphore(%arg7 : memref<!tpu.dma_semaphore, #tpu.memory_space<semaphore_mem>>) src(%dma_wait3A_293 : memref<200x16xf32, #tpu.memory_space<hbm>>) dst(%arg5 : memref<200x16xf32, #tpu.memory_space<vmem>>)
    %sub3A_294 = arith.constant 160000 : i32
    %sub3A_295 = arith.subi %add3A_4, %sub3A_294 : i32
    %add3A_296 = arith.constant 2600 : i32
    %add3A_297 = arith.addi %sub3A_295, %add3A_296 : i32
    %dma_start3A_298 = arith.constant 0 : i32
    %dma_start3A_299 = tpu.memref_slice %arg3[%add3A_297, %dma_start3A_298] : memref<160000x16xf32, #tpu.memory_space<hbm>> -> memref<200x16xf32, #tpu.memory_space<hbm>>
    %dma_start3A_300 = arith.constant 0 : i32
    %dma_start3A_301 = tpu.memref_slice %arg3[%add3A_297, %dma_start3A_300] : memref<160000x16xf32, #tpu.memory_space<hbm>> -> memref<200x16xf32, #tpu.memory_space<hbm>>
    tpu.enqueue_dma source(%arg5 : memref<200x16xf32, #tpu.memory_space<vmem>>) target(%dma_start3A_301 : memref<200x16xf32, #tpu.memory_space<hbm>>) target_semaphore(%arg9 : memref<!tpu.dma_semaphore, #tpu.memory_space<semaphore_mem>>)
    %dma_wait3A_302 = arith.constant 0 : i32
    %dma_wait3A_303 = tpu.memref_slice %arg3[%add3A_275, %dma_wait3A_302] : memref<160000x16xf32, #tpu.memory_space<hbm>> -> memref<200x16xf32, #tpu.memory_space<hbm>>
    %dma_wait3A_304 = arith.constant 0 : i32
    %dma_wait3A_305 = tpu.memref_slice %arg3[%add3A_275, %dma_wait3A_304] : memref<160000x16xf32, #tpu.memory_space<hbm>> -> memref<200x16xf32, #tpu.memory_space<hbm>>
    tpu.wait_dma2 semaphore(%arg8 : memref<!tpu.dma_semaphore, #tpu.memory_space<semaphore_mem>>) src(%arg4 : memref<200x16xf32, #tpu.memory_space<vmem>>) dst(%dma_wait3A_305 : memref<200x16xf32, #tpu.memory_space<hbm>>)
    %add3A_306 = arith.constant 2800 : i32
    %add3A_307 = arith.addi %add3A_4, %add3A_306 : i32
    %dma_start3A_308 = arith.constant 0 : i32
    %dma_start3A_309 = tpu.memref_slice %arg2[%add3A_307, %dma_start3A_308] : memref<320000x16xf32, #tpu.memory_space<hbm>> -> memref<200x16xf32, #tpu.memory_space<hbm>>
    %dma_start3A_310 = arith.constant 0 : i32
    %dma_start3A_311 = tpu.memref_slice %arg2[%add3A_307, %dma_start3A_310] : memref<320000x16xf32, #tpu.memory_space<hbm>> -> memref<200x16xf32, #tpu.memory_space<hbm>>
    tpu.enqueue_dma source(%dma_start3A_311 : memref<200x16xf32, #tpu.memory_space<hbm>>) target(%arg4 : memref<200x16xf32, #tpu.memory_space<vmem>>) target_semaphore(%arg6 : memref<!tpu.dma_semaphore, #tpu.memory_space<semaphore_mem>>)
    %dma_wait3A_312 = arith.constant 0 : i32
    %dma_wait3A_313 = tpu.memref_slice %arg2[%add3A_307, %dma_wait3A_312] : memref<320000x16xf32, #tpu.memory_space<hbm>> -> memref<200x16xf32, #tpu.memory_space<hbm>>
    %dma_wait3A_314 = arith.constant 0 : i32
    %dma_wait3A_315 = tpu.memref_slice %arg2[%add3A_307, %dma_wait3A_314] : memref<320000x16xf32, #tpu.memory_space<hbm>> -> memref<200x16xf32, #tpu.memory_space<hbm>>
    tpu.wait_dma2 semaphore(%arg6 : memref<!tpu.dma_semaphore, #tpu.memory_space<semaphore_mem>>) src(%dma_wait3A_315 : memref<200x16xf32, #tpu.memory_space<hbm>>) dst(%arg4 : memref<200x16xf32, #tpu.memory_space<vmem>>)
    %sub3A_316 = arith.constant 160000 : i32
    %sub3A_317 = arith.subi %add3A_4, %sub3A_316 : i32
    %add3A_318 = arith.constant 2800 : i32
    %add3A_319 = arith.addi %sub3A_317, %add3A_318 : i32
    %dma_start3A_320 = arith.constant 0 : i32
    %dma_start3A_321 = tpu.memref_slice %arg3[%add3A_319, %dma_start3A_320] : memref<160000x16xf32, #tpu.memory_space<hbm>> -> memref<200x16xf32, #tpu.memory_space<hbm>>
    %dma_start3A_322 = arith.constant 0 : i32
    %dma_start3A_323 = tpu.memref_slice %arg3[%add3A_319, %dma_start3A_322] : memref<160000x16xf32, #tpu.memory_space<hbm>> -> memref<200x16xf32, #tpu.memory_space<hbm>>
    tpu.enqueue_dma source(%arg4 : memref<200x16xf32, #tpu.memory_space<vmem>>) target(%dma_start3A_323 : memref<200x16xf32, #tpu.memory_space<hbm>>) target_semaphore(%arg8 : memref<!tpu.dma_semaphore, #tpu.memory_space<semaphore_mem>>)
    %dma_wait3A_324 = arith.constant 0 : i32
    %dma_wait3A_325 = tpu.memref_slice %arg3[%add3A_297, %dma_wait3A_324] : memref<160000x16xf32, #tpu.memory_space<hbm>> -> memref<200x16xf32, #tpu.memory_space<hbm>>
    %dma_wait3A_326 = arith.constant 0 : i32
    %dma_wait3A_327 = tpu.memref_slice %arg3[%add3A_297, %dma_wait3A_326] : memref<160000x16xf32, #tpu.memory_space<hbm>> -> memref<200x16xf32, #tpu.memory_space<hbm>>
    tpu.wait_dma2 semaphore(%arg9 : memref<!tpu.dma_semaphore, #tpu.memory_space<semaphore_mem>>) src(%arg5 : memref<200x16xf32, #tpu.memory_space<vmem>>) dst(%dma_wait3A_327 : memref<200x16xf32, #tpu.memory_space<hbm>>)
    %add3A_328 = arith.constant 3000 : i32
    %add3A_329 = arith.addi %add3A_4, %add3A_328 : i32
    %dma_start3A_330 = arith.constant 0 : i32
    %dma_start3A_331 = tpu.memref_slice %arg2[%add3A_329, %dma_start3A_330] : memref<320000x16xf32, #tpu.memory_space<hbm>> -> memref<200x16xf32, #tpu.memory_space<hbm>>
    %dma_start3A_332 = arith.constant 0 : i32
    %dma_start3A_333 = tpu.memref_slice %arg2[%add3A_329, %dma_start3A_332] : memref<320000x16xf32, #tpu.memory_space<hbm>> -> memref<200x16xf32, #tpu.memory_space<hbm>>
    tpu.enqueue_dma source(%dma_start3A_333 : memref<200x16xf32, #tpu.memory_space<hbm>>) target(%arg5 : memref<200x16xf32, #tpu.memory_space<vmem>>) target_semaphore(%arg7 : memref<!tpu.dma_semaphore, #tpu.memory_space<semaphore_mem>>)
    %dma_wait3A_334 = arith.constant 0 : i32
    %dma_wait3A_335 = tpu.memref_slice %arg2[%add3A_329, %dma_wait3A_334] : memref<320000x16xf32, #tpu.memory_space<hbm>> -> memref<200x16xf32, #tpu.memory_space<hbm>>
    %dma_wait3A_336 = arith.constant 0 : i32
    %dma_wait3A_337 = tpu.memref_slice %arg2[%add3A_329, %dma_wait3A_336] : memref<320000x16xf32, #tpu.memory_space<hbm>> -> memref<200x16xf32, #tpu.memory_space<hbm>>
    tpu.wait_dma2 semaphore(%arg7 : memref<!tpu.dma_semaphore, #tpu.memory_space<semaphore_mem>>) src(%dma_wait3A_337 : memref<200x16xf32, #tpu.memory_space<hbm>>) dst(%arg5 : memref<200x16xf32, #tpu.memory_space<vmem>>)
    %sub3A_338 = arith.constant 160000 : i32
    %sub3A_339 = arith.subi %add3A_4, %sub3A_338 : i32
    %add3A_340 = arith.constant 3000 : i32
    %add3A_341 = arith.addi %sub3A_339, %add3A_340 : i32
    %dma_start3A_342 = arith.constant 0 : i32
    %dma_start3A_343 = tpu.memref_slice %arg3[%add3A_341, %dma_start3A_342] : memref<160000x16xf32, #tpu.memory_space<hbm>> -> memref<200x16xf32, #tpu.memory_space<hbm>>
    %dma_start3A_344 = arith.constant 0 : i32
    %dma_start3A_345 = tpu.memref_slice %arg3[%add3A_341, %dma_start3A_344] : memref<160000x16xf32, #tpu.memory_space<hbm>> -> memref<200x16xf32, #tpu.memory_space<hbm>>
    tpu.enqueue_dma source(%arg5 : memref<200x16xf32, #tpu.memory_space<vmem>>) target(%dma_start3A_345 : memref<200x16xf32, #tpu.memory_space<hbm>>) target_semaphore(%arg9 : memref<!tpu.dma_semaphore, #tpu.memory_space<semaphore_mem>>)
    %dma_wait3A_346 = arith.constant 0 : i32
    %dma_wait3A_347 = tpu.memref_slice %arg3[%add3A_319, %dma_wait3A_346] : memref<160000x16xf32, #tpu.memory_space<hbm>> -> memref<200x16xf32, #tpu.memory_space<hbm>>
    %dma_wait3A_348 = arith.constant 0 : i32
    %dma_wait3A_349 = tpu.memref_slice %arg3[%add3A_319, %dma_wait3A_348] : memref<160000x16xf32, #tpu.memory_space<hbm>> -> memref<200x16xf32, #tpu.memory_space<hbm>>
    tpu.wait_dma2 semaphore(%arg8 : memref<!tpu.dma_semaphore, #tpu.memory_space<semaphore_mem>>) src(%arg4 : memref<200x16xf32, #tpu.memory_space<vmem>>) dst(%dma_wait3A_349 : memref<200x16xf32, #tpu.memory_space<hbm>>)
    %add3A_350 = arith.constant 3200 : i32
    %add3A_351 = arith.addi %add3A_4, %add3A_350 : i32
    %dma_start3A_352 = arith.constant 0 : i32
    %dma_start3A_353 = tpu.memref_slice %arg2[%add3A_351, %dma_start3A_352] : memref<320000x16xf32, #tpu.memory_space<hbm>> -> memref<200x16xf32, #tpu.memory_space<hbm>>
    %dma_start3A_354 = arith.constant 0 : i32
    %dma_start3A_355 = tpu.memref_slice %arg2[%add3A_351, %dma_start3A_354] : memref<320000x16xf32, #tpu.memory_space<hbm>> -> memref<200x16xf32, #tpu.memory_space<hbm>>
    tpu.enqueue_dma source(%dma_start3A_355 : memref<200x16xf32, #tpu.memory_space<hbm>>) target(%arg4 : memref<200x16xf32, #tpu.memory_space<vmem>>) target_semaphore(%arg6 : memref<!tpu.dma_semaphore, #tpu.memory_space<semaphore_mem>>)
    %dma_wait3A_356 = arith.constant 0 : i32
    %dma_wait3A_357 = tpu.memref_slice %arg2[%add3A_351, %dma_wait3A_356] : memref<320000x16xf32, #tpu.memory_space<hbm>> -> memref<200x16xf32, #tpu.memory_space<hbm>>
    %dma_wait3A_358 = arith.constant 0 : i32
    %dma_wait3A_359 = tpu.memref_slice %arg2[%add3A_351, %dma_wait3A_358] : memref<320000x16xf32, #tpu.memory_space<hbm>> -> memref<200x16xf32, #tpu.memory_space<hbm>>
    tpu.wait_dma2 semaphore(%arg6 : memref<!tpu.dma_semaphore, #tpu.memory_space<semaphore_mem>>) src(%dma_wait3A_359 : memref<200x16xf32, #tpu.memory_space<hbm>>) dst(%arg4 : memref<200x16xf32, #tpu.memory_space<vmem>>)
    %sub3A_360 = arith.constant 160000 : i32
    %sub3A_361 = arith.subi %add3A_4, %sub3A_360 : i32
    %add3A_362 = arith.constant 3200 : i32
    %add3A_363 = arith.addi %sub3A_361, %add3A_362 : i32
    %dma_start3A_364 = arith.constant 0 : i32
    %dma_start3A_365 = tpu.memref_slice %arg3[%add3A_363, %dma_start3A_364] : memref<160000x16xf32, #tpu.memory_space<hbm>> -> memref<200x16xf32, #tpu.memory_space<hbm>>
    %dma_start3A_366 = arith.constant 0 : i32
    %dma_start3A_367 = tpu.memref_slice %arg3[%add3A_363, %dma_start3A_366] : memref<160000x16xf32, #tpu.memory_space<hbm>> -> memref<200x16xf32, #tpu.memory_space<hbm>>
    tpu.enqueue_dma source(%arg4 : memref<200x16xf32, #tpu.memory_space<vmem>>) target(%dma_start3A_367 : memref<200x16xf32, #tpu.memory_space<hbm>>) target_semaphore(%arg8 : memref<!tpu.dma_semaphore, #tpu.memory_space<semaphore_mem>>)
    %dma_wait3A_368 = arith.constant 0 : i32
    %dma_wait3A_369 = tpu.memref_slice %arg3[%add3A_341, %dma_wait3A_368] : memref<160000x16xf32, #tpu.memory_space<hbm>> -> memref<200x16xf32, #tpu.memory_space<hbm>>
    %dma_wait3A_370 = arith.constant 0 : i32
    %dma_wait3A_371 = tpu.memref_slice %arg3[%add3A_341, %dma_wait3A_370] : memref<160000x16xf32, #tpu.memory_space<hbm>> -> memref<200x16xf32, #tpu.memory_space<hbm>>
    tpu.wait_dma2 semaphore(%arg9 : memref<!tpu.dma_semaphore, #tpu.memory_space<semaphore_mem>>) src(%arg5 : memref<200x16xf32, #tpu.memory_space<vmem>>) dst(%dma_wait3A_371 : memref<200x16xf32, #tpu.memory_space<hbm>>)
    %add3A_372 = arith.constant 3400 : i32
    %add3A_373 = arith.addi %add3A_4, %add3A_372 : i32
    %dma_start3A_374 = arith.constant 0 : i32
    %dma_start3A_375 = tpu.memref_slice %arg2[%add3A_373, %dma_start3A_374] : memref<320000x16xf32, #tpu.memory_space<hbm>> -> memref<200x16xf32, #tpu.memory_space<hbm>>
    %dma_start3A_376 = arith.constant 0 : i32
    %dma_start3A_377 = tpu.memref_slice %arg2[%add3A_373, %dma_start3A_376] : memref<320000x16xf32, #tpu.memory_space<hbm>> -> memref<200x16xf32, #tpu.memory_space<hbm>>
    tpu.enqueue_dma source(%dma_start3A_377 : memref<200x16xf32, #tpu.memory_space<hbm>>) target(%arg5 : memref<200x16xf32, #tpu.memory_space<vmem>>) target_semaphore(%arg7 : memref<!tpu.dma_semaphore, #tpu.memory_space<semaphore_mem>>)
    %dma_wait3A_378 = arith.constant 0 : i32
    %dma_wait3A_379 = tpu.memref_slice %arg2[%add3A_373, %dma_wait3A_378] : memref<320000x16xf32, #tpu.memory_space<hbm>> -> memref<200x16xf32, #tpu.memory_space<hbm>>
    %dma_wait3A_380 = arith.constant 0 : i32
    %dma_wait3A_381 = tpu.memref_slice %arg2[%add3A_373, %dma_wait3A_380] : memref<320000x16xf32, #tpu.memory_space<hbm>> -> memref<200x16xf32, #tpu.memory_space<hbm>>
    tpu.wait_dma2 semaphore(%arg7 : memref<!tpu.dma_semaphore, #tpu.memory_space<semaphore_mem>>) src(%dma_wait3A_381 : memref<200x16xf32, #tpu.memory_space<hbm>>) dst(%arg5 : memref<200x16xf32, #tpu.memory_space<vmem>>)
    %sub3A_382 = arith.constant 160000 : i32
    %sub3A_383 = arith.subi %add3A_4, %sub3A_382 : i32
    %add3A_384 = arith.constant 3400 : i32
    %add3A_385 = arith.addi %sub3A_383, %add3A_384 : i32
    %dma_start3A_386 = arith.constant 0 : i32
    %dma_start3A_387 = tpu.memref_slice %arg3[%add3A_385, %dma_start3A_386] : memref<160000x16xf32, #tpu.memory_space<hbm>> -> memref<200x16xf32, #tpu.memory_space<hbm>>
    %dma_start3A_388 = arith.constant 0 : i32
    %dma_start3A_389 = tpu.memref_slice %arg3[%add3A_385, %dma_start3A_388] : memref<160000x16xf32, #tpu.memory_space<hbm>> -> memref<200x16xf32, #tpu.memory_space<hbm>>
    tpu.enqueue_dma source(%arg5 : memref<200x16xf32, #tpu.memory_space<vmem>>) target(%dma_start3A_389 : memref<200x16xf32, #tpu.memory_space<hbm>>) target_semaphore(%arg9 : memref<!tpu.dma_semaphore, #tpu.memory_space<semaphore_mem>>)
    %dma_wait3A_390 = arith.constant 0 : i32
    %dma_wait3A_391 = tpu.memref_slice %arg3[%add3A_363, %dma_wait3A_390] : memref<160000x16xf32, #tpu.memory_space<hbm>> -> memref<200x16xf32, #tpu.memory_space<hbm>>
    %dma_wait3A_392 = arith.constant 0 : i32
    %dma_wait3A_393 = tpu.memref_slice %arg3[%add3A_363, %dma_wait3A_392] : memref<160000x16xf32, #tpu.memory_space<hbm>> -> memref<200x16xf32, #tpu.memory_space<hbm>>
    tpu.wait_dma2 semaphore(%arg8 : memref<!tpu.dma_semaphore, #tpu.memory_space<semaphore_mem>>) src(%arg4 : memref<200x16xf32, #tpu.memory_space<vmem>>) dst(%dma_wait3A_393 : memref<200x16xf32, #tpu.memory_space<hbm>>)
    %add3A_394 = arith.constant 3600 : i32
    %add3A_395 = arith.addi %add3A_4, %add3A_394 : i32
    %dma_start3A_396 = arith.constant 0 : i32
    %dma_start3A_397 = tpu.memref_slice %arg2[%add3A_395, %dma_start3A_396] : memref<320000x16xf32, #tpu.memory_space<hbm>> -> memref<200x16xf32, #tpu.memory_space<hbm>>
    %dma_start3A_398 = arith.constant 0 : i32
    %dma_start3A_399 = tpu.memref_slice %arg2[%add3A_395, %dma_start3A_398] : memref<320000x16xf32, #tpu.memory_space<hbm>> -> memref<200x16xf32, #tpu.memory_space<hbm>>
    tpu.enqueue_dma source(%dma_start3A_399 : memref<200x16xf32, #tpu.memory_space<hbm>>) target(%arg4 : memref<200x16xf32, #tpu.memory_space<vmem>>) target_semaphore(%arg6 : memref<!tpu.dma_semaphore, #tpu.memory_space<semaphore_mem>>)
    %dma_wait3A_400 = arith.constant 0 : i32
    %dma_wait3A_401 = tpu.memref_slice %arg2[%add3A_395, %dma_wait3A_400] : memref<320000x16xf32, #tpu.memory_space<hbm>> -> memref<200x16xf32, #tpu.memory_space<hbm>>
    %dma_wait3A_402 = arith.constant 0 : i32
    %dma_wait3A_403 = tpu.memref_slice %arg2[%add3A_395, %dma_wait3A_402] : memref<320000x16xf32, #tpu.memory_space<hbm>> -> memref<200x16xf32, #tpu.memory_space<hbm>>
    tpu.wait_dma2 semaphore(%arg6 : memref<!tpu.dma_semaphore, #tpu.memory_space<semaphore_mem>>) src(%dma_wait3A_403 : memref<200x16xf32, #tpu.memory_space<hbm>>) dst(%arg4 : memref<200x16xf32, #tpu.memory_space<vmem>>)
    %sub3A_404 = arith.constant 160000 : i32
    %sub3A_405 = arith.subi %add3A_4, %sub3A_404 : i32
    %add3A_406 = arith.constant 3600 : i32
    %add3A_407 = arith.addi %sub3A_405, %add3A_406 : i32
    %dma_start3A_408 = arith.constant 0 : i32
    %dma_start3A_409 = tpu.memref_slice %arg3[%add3A_407, %dma_start3A_408] : memref<160000x16xf32, #tpu.memory_space<hbm>> -> memref<200x16xf32, #tpu.memory_space<hbm>>
    %dma_start3A_410 = arith.constant 0 : i32
    %dma_start3A_411 = tpu.memref_slice %arg3[%add3A_407, %dma_start3A_410] : memref<160000x16xf32, #tpu.memory_space<hbm>> -> memref<200x16xf32, #tpu.memory_space<hbm>>
    tpu.enqueue_dma source(%arg4 : memref<200x16xf32, #tpu.memory_space<vmem>>) target(%dma_start3A_411 : memref<200x16xf32, #tpu.memory_space<hbm>>) target_semaphore(%arg8 : memref<!tpu.dma_semaphore, #tpu.memory_space<semaphore_mem>>)
    %dma_wait3A_412 = arith.constant 0 : i32
    %dma_wait3A_413 = tpu.memref_slice %arg3[%add3A_385, %dma_wait3A_412] : memref<160000x16xf32, #tpu.memory_space<hbm>> -> memref<200x16xf32, #tpu.memory_space<hbm>>
    %dma_wait3A_414 = arith.constant 0 : i32
    %dma_wait3A_415 = tpu.memref_slice %arg3[%add3A_385, %dma_wait3A_414] : memref<160000x16xf32, #tpu.memory_space<hbm>> -> memref<200x16xf32, #tpu.memory_space<hbm>>
    tpu.wait_dma2 semaphore(%arg9 : memref<!tpu.dma_semaphore, #tpu.memory_space<semaphore_mem>>) src(%arg5 : memref<200x16xf32, #tpu.memory_space<vmem>>) dst(%dma_wait3A_415 : memref<200x16xf32, #tpu.memory_space<hbm>>)
    %add3A_416 = arith.constant 3800 : i32
    %add3A_417 = arith.addi %add3A_4, %add3A_416 : i32
    %dma_start3A_418 = arith.constant 0 : i32
    %dma_start3A_419 = tpu.memref_slice %arg2[%add3A_417, %dma_start3A_418] : memref<320000x16xf32, #tpu.memory_space<hbm>> -> memref<200x16xf32, #tpu.memory_space<hbm>>
    %dma_start3A_420 = arith.constant 0 : i32
    %dma_start3A_421 = tpu.memref_slice %arg2[%add3A_417, %dma_start3A_420] : memref<320000x16xf32, #tpu.memory_space<hbm>> -> memref<200x16xf32, #tpu.memory_space<hbm>>
    tpu.enqueue_dma source(%dma_start3A_421 : memref<200x16xf32, #tpu.memory_space<hbm>>) target(%arg5 : memref<200x16xf32, #tpu.memory_space<vmem>>) target_semaphore(%arg7 : memref<!tpu.dma_semaphore, #tpu.memory_space<semaphore_mem>>)
    %dma_wait3A_422 = arith.constant 0 : i32
    %dma_wait3A_423 = tpu.memref_slice %arg2[%add3A_417, %dma_wait3A_422] : memref<320000x16xf32, #tpu.memory_space<hbm>> -> memref<200x16xf32, #tpu.memory_space<hbm>>
    %dma_wait3A_424 = arith.constant 0 : i32
    %dma_wait3A_425 = tpu.memref_slice %arg2[%add3A_417, %dma_wait3A_424] : memref<320000x16xf32, #tpu.memory_space<hbm>> -> memref<200x16xf32, #tpu.memory_space<hbm>>
    tpu.wait_dma2 semaphore(%arg7 : memref<!tpu.dma_semaphore, #tpu.memory_space<semaphore_mem>>) src(%dma_wait3A_425 : memref<200x16xf32, #tpu.memory_space<hbm>>) dst(%arg5 : memref<200x16xf32, #tpu.memory_space<vmem>>)
    %sub3A_426 = arith.constant 160000 : i32
    %sub3A_427 = arith.subi %add3A_4, %sub3A_426 : i32
    %add3A_428 = arith.constant 3800 : i32
    %add3A_429 = arith.addi %sub3A_427, %add3A_428 : i32
    %dma_start3A_430 = arith.constant 0 : i32
    %dma_start3A_431 = tpu.memref_slice %arg3[%add3A_429, %dma_start3A_430] : memref<160000x16xf32, #tpu.memory_space<hbm>> -> memref<200x16xf32, #tpu.memory_space<hbm>>
    %dma_start3A_432 = arith.constant 0 : i32
    %dma_start3A_433 = tpu.memref_slice %arg3[%add3A_429, %dma_start3A_432] : memref<160000x16xf32, #tpu.memory_space<hbm>> -> memref<200x16xf32, #tpu.memory_space<hbm>>
    tpu.enqueue_dma source(%arg5 : memref<200x16xf32, #tpu.memory_space<vmem>>) target(%dma_start3A_433 : memref<200x16xf32, #tpu.memory_space<hbm>>) target_semaphore(%arg9 : memref<!tpu.dma_semaphore, #tpu.memory_space<semaphore_mem>>)
    %dma_wait3A_434 = arith.constant 0 : i32
    %dma_wait3A_435 = tpu.memref_slice %arg3[%add3A_407, %dma_wait3A_434] : memref<160000x16xf32, #tpu.memory_space<hbm>> -> memref<200x16xf32, #tpu.memory_space<hbm>>
    %dma_wait3A_436 = arith.constant 0 : i32
    %dma_wait3A_437 = tpu.memref_slice %arg3[%add3A_407, %dma_wait3A_436] : memref<160000x16xf32, #tpu.memory_space<hbm>> -> memref<200x16xf32, #tpu.memory_space<hbm>>
    tpu.wait_dma2 semaphore(%arg8 : memref<!tpu.dma_semaphore, #tpu.memory_space<semaphore_mem>>) src(%arg4 : memref<200x16xf32, #tpu.memory_space<vmem>>) dst(%dma_wait3A_437 : memref<200x16xf32, #tpu.memory_space<hbm>>)
    %add3A_438 = arith.constant 4000 : i32
    %add3A_439 = arith.addi %add3A_4, %add3A_438 : i32
    %dma_start3A_440 = arith.constant 0 : i32
    %dma_start3A_441 = tpu.memref_slice %arg2[%add3A_439, %dma_start3A_440] : memref<320000x16xf32, #tpu.memory_space<hbm>> -> memref<200x16xf32, #tpu.memory_space<hbm>>
    %dma_start3A_442 = arith.constant 0 : i32
    %dma_start3A_443 = tpu.memref_slice %arg2[%add3A_439, %dma_start3A_442] : memref<320000x16xf32, #tpu.memory_space<hbm>> -> memref<200x16xf32, #tpu.memory_space<hbm>>
    tpu.enqueue_dma source(%dma_start3A_443 : memref<200x16xf32, #tpu.memory_space<hbm>>) target(%arg4 : memref<200x16xf32, #tpu.memory_space<vmem>>) target_semaphore(%arg6 : memref<!tpu.dma_semaphore, #tpu.memory_space<semaphore_mem>>)
    %dma_wait3A_444 = arith.constant 0 : i32
    %dma_wait3A_445 = tpu.memref_slice %arg2[%add3A_439, %dma_wait3A_444] : memref<320000x16xf32, #tpu.memory_space<hbm>> -> memref<200x16xf32, #tpu.memory_space<hbm>>
    %dma_wait3A_446 = arith.constant 0 : i32
    %dma_wait3A_447 = tpu.memref_slice %arg2[%add3A_439, %dma_wait3A_446] : memref<320000x16xf32, #tpu.memory_space<hbm>> -> memref<200x16xf32, #tpu.memory_space<hbm>>
    tpu.wait_dma2 semaphore(%arg6 : memref<!tpu.dma_semaphore, #tpu.memory_space<semaphore_mem>>) src(%dma_wait3A_447 : memref<200x16xf32, #tpu.memory_space<hbm>>) dst(%arg4 : memref<200x16xf32, #tpu.memory_space<vmem>>)
    %sub3A_448 = arith.constant 160000 : i32
    %sub3A_449 = arith.subi %add3A_4, %sub3A_448 : i32
    %add3A_450 = arith.constant 4000 : i32
    %add3A_451 = arith.addi %sub3A_449, %add3A_450 : i32
    %dma_start3A_452 = arith.constant 0 : i32
    %dma_start3A_453 = tpu.memref_slice %arg3[%add3A_451, %dma_start3A_452] : memref<160000x16xf32, #tpu.memory_space<hbm>> -> memref<200x16xf32, #tpu.memory_space<hbm>>
    %dma_start3A_454 = arith.constant 0 : i32
    %dma_start3A_455 = tpu.memref_slice %arg3[%add3A_451, %dma_start3A_454] : memref<160000x16xf32, #tpu.memory_space<hbm>> -> memref<200x16xf32, #tpu.memory_space<hbm>>
    tpu.enqueue_dma source(%arg4 : memref<200x16xf32, #tpu.memory_space<vmem>>) target(%dma_start3A_455 : memref<200x16xf32, #tpu.memory_space<hbm>>) target_semaphore(%arg8 : memref<!tpu.dma_semaphore, #tpu.memory_space<semaphore_mem>>)
    %dma_wait3A_456 = arith.constant 0 : i32
    %dma_wait3A_457 = tpu.memref_slice %arg3[%add3A_429, %dma_wait3A_456] : memref<160000x16xf32, #tpu.memory_space<hbm>> -> memref<200x16xf32, #tpu.memory_space<hbm>>
    %dma_wait3A_458 = arith.constant 0 : i32
    %dma_wait3A_459 = tpu.memref_slice %arg3[%add3A_429, %dma_wait3A_458] : memref<160000x16xf32, #tpu.memory_space<hbm>> -> memref<200x16xf32, #tpu.memory_space<hbm>>
    tpu.wait_dma2 semaphore(%arg9 : memref<!tpu.dma_semaphore, #tpu.memory_space<semaphore_mem>>) src(%arg5 : memref<200x16xf32, #tpu.memory_space<vmem>>) dst(%dma_wait3A_459 : memref<200x16xf32, #tpu.memory_space<hbm>>)
    %add3A_460 = arith.constant 4200 : i32
    %add3A_461 = arith.addi %add3A_4, %add3A_460 : i32
    %dma_start3A_462 = arith.constant 0 : i32
    %dma_start3A_463 = tpu.memref_slice %arg2[%add3A_461, %dma_start3A_462] : memref<320000x16xf32, #tpu.memory_space<hbm>> -> memref<200x16xf32, #tpu.memory_space<hbm>>
    %dma_start3A_464 = arith.constant 0 : i32
    %dma_start3A_465 = tpu.memref_slice %arg2[%add3A_461, %dma_start3A_464] : memref<320000x16xf32, #tpu.memory_space<hbm>> -> memref<200x16xf32, #tpu.memory_space<hbm>>
    tpu.enqueue_dma source(%dma_start3A_465 : memref<200x16xf32, #tpu.memory_space<hbm>>) target(%arg5 : memref<200x16xf32, #tpu.memory_space<vmem>>) target_semaphore(%arg7 : memref<!tpu.dma_semaphore, #tpu.memory_space<semaphore_mem>>)
    %dma_wait3A_466 = arith.constant 0 : i32
    %dma_wait3A_467 = tpu.memref_slice %arg2[%add3A_461, %dma_wait3A_466] : memref<320000x16xf32, #tpu.memory_space<hbm>> -> memref<200x16xf32, #tpu.memory_space<hbm>>
    %dma_wait3A_468 = arith.constant 0 : i32
    %dma_wait3A_469 = tpu.memref_slice %arg2[%add3A_461, %dma_wait3A_468] : memref<320000x16xf32, #tpu.memory_space<hbm>> -> memref<200x16xf32, #tpu.memory_space<hbm>>
    tpu.wait_dma2 semaphore(%arg7 : memref<!tpu.dma_semaphore, #tpu.memory_space<semaphore_mem>>) src(%dma_wait3A_469 : memref<200x16xf32, #tpu.memory_space<hbm>>) dst(%arg5 : memref<200x16xf32, #tpu.memory_space<vmem>>)
    %sub3A_470 = arith.constant 160000 : i32
    %sub3A_471 = arith.subi %add3A_4, %sub3A_470 : i32
    %add3A_472 = arith.constant 4200 : i32
    %add3A_473 = arith.addi %sub3A_471, %add3A_472 : i32
    %dma_start3A_474 = arith.constant 0 : i32
    %dma_start3A_475 = tpu.memref_slice %arg3[%add3A_473, %dma_start3A_474] : memref<160000x16xf32, #tpu.memory_space<hbm>> -> memref<200x16xf32, #tpu.memory_space<hbm>>
    %dma_start3A_476 = arith.constant 0 : i32
    %dma_start3A_477 = tpu.memref_slice %arg3[%add3A_473, %dma_start3A_476] : memref<160000x16xf32, #tpu.memory_space<hbm>> -> memref<200x16xf32, #tpu.memory_space<hbm>>
    tpu.enqueue_dma source(%arg5 : memref<200x16xf32, #tpu.memory_space<vmem>>) target(%dma_start3A_477 : memref<200x16xf32, #tpu.memory_space<hbm>>) target_semaphore(%arg9 : memref<!tpu.dma_semaphore, #tpu.memory_space<semaphore_mem>>)
    %dma_wait3A_478 = arith.constant 0 : i32
    %dma_wait3A_479 = tpu.memref_slice %arg3[%add3A_451, %dma_wait3A_478] : memref<160000x16xf32, #tpu.memory_space<hbm>> -> memref<200x16xf32, #tpu.memory_space<hbm>>
    %dma_wait3A_480 = arith.constant 0 : i32
    %dma_wait3A_481 = tpu.memref_slice %arg3[%add3A_451, %dma_wait3A_480] : memref<160000x16xf32, #tpu.memory_space<hbm>> -> memref<200x16xf32, #tpu.memory_space<hbm>>
    tpu.wait_dma2 semaphore(%arg8 : memref<!tpu.dma_semaphore, #tpu.memory_space<semaphore_mem>>) src(%arg4 : memref<200x16xf32, #tpu.memory_space<vmem>>) dst(%dma_wait3A_481 : memref<200x16xf32, #tpu.memory_space<hbm>>)
    %add3A_482 = arith.constant 4400 : i32
    %add3A_483 = arith.addi %add3A_4, %add3A_482 : i32
    %dma_start3A_484 = arith.constant 0 : i32
    %dma_start3A_485 = tpu.memref_slice %arg2[%add3A_483, %dma_start3A_484] : memref<320000x16xf32, #tpu.memory_space<hbm>> -> memref<200x16xf32, #tpu.memory_space<hbm>>
    %dma_start3A_486 = arith.constant 0 : i32
    %dma_start3A_487 = tpu.memref_slice %arg2[%add3A_483, %dma_start3A_486] : memref<320000x16xf32, #tpu.memory_space<hbm>> -> memref<200x16xf32, #tpu.memory_space<hbm>>
    tpu.enqueue_dma source(%dma_start3A_487 : memref<200x16xf32, #tpu.memory_space<hbm>>) target(%arg4 : memref<200x16xf32, #tpu.memory_space<vmem>>) target_semaphore(%arg6 : memref<!tpu.dma_semaphore, #tpu.memory_space<semaphore_mem>>)
    %dma_wait3A_488 = arith.constant 0 : i32
    %dma_wait3A_489 = tpu.memref_slice %arg2[%add3A_483, %dma_wait3A_488] : memref<320000x16xf32, #tpu.memory_space<hbm>> -> memref<200x16xf32, #tpu.memory_space<hbm>>
    %dma_wait3A_490 = arith.constant 0 : i32
    %dma_wait3A_491 = tpu.memref_slice %arg2[%add3A_483, %dma_wait3A_490] : memref<320000x16xf32, #tpu.memory_space<hbm>> -> memref<200x16xf32, #tpu.memory_space<hbm>>
    tpu.wait_dma2 semaphore(%arg6 : memref<!tpu.dma_semaphore, #tpu.memory_space<semaphore_mem>>) src(%dma_wait3A_491 : memref<200x16xf32, #tpu.memory_space<hbm>>) dst(%arg4 : memref<200x16xf32, #tpu.memory_space<vmem>>)
    %sub3A_492 = arith.constant 160000 : i32
    %sub3A_493 = arith.subi %add3A_4, %sub3A_492 : i32
    %add3A_494 = arith.constant 4400 : i32
    %add3A_495 = arith.addi %sub3A_493, %add3A_494 : i32
    %dma_start3A_496 = arith.constant 0 : i32
    %dma_start3A_497 = tpu.memref_slice %arg3[%add3A_495, %dma_start3A_496] : memref<160000x16xf32, #tpu.memory_space<hbm>> -> memref<200x16xf32, #tpu.memory_space<hbm>>
    %dma_start3A_498 = arith.constant 0 : i32
    %dma_start3A_499 = tpu.memref_slice %arg3[%add3A_495, %dma_start3A_498] : memref<160000x16xf32, #tpu.memory_space<hbm>> -> memref<200x16xf32, #tpu.memory_space<hbm>>
    tpu.enqueue_dma source(%arg4 : memref<200x16xf32, #tpu.memory_space<vmem>>) target(%dma_start3A_499 : memref<200x16xf32, #tpu.memory_space<hbm>>) target_semaphore(%arg8 : memref<!tpu.dma_semaphore, #tpu.memory_space<semaphore_mem>>)
    %dma_wait3A_500 = arith.constant 0 : i32
    %dma_wait3A_501 = tpu.memref_slice %arg3[%add3A_473, %dma_wait3A_500] : memref<160000x16xf32, #tpu.memory_space<hbm>> -> memref<200x16xf32, #tpu.memory_space<hbm>>
    %dma_wait3A_502 = arith.constant 0 : i32
    %dma_wait3A_503 = tpu.memref_slice %arg3[%add3A_473, %dma_wait3A_502] : memref<160000x16xf32, #tpu.memory_space<hbm>> -> memref<200x16xf32, #tpu.memory_space<hbm>>
    tpu.wait_dma2 semaphore(%arg9 : memref<!tpu.dma_semaphore, #tpu.memory_space<semaphore_mem>>) src(%arg5 : memref<200x16xf32, #tpu.memory_space<vmem>>) dst(%dma_wait3A_503 : memref<200x16xf32, #tpu.memory_space<hbm>>)
    %add3A_504 = arith.constant 4600 : i32
    %add3A_505 = arith.addi %add3A_4, %add3A_504 : i32
    %dma_start3A_506 = arith.constant 0 : i32
    %dma_start3A_507 = tpu.memref_slice %arg2[%add3A_505, %dma_start3A_506] : memref<320000x16xf32, #tpu.memory_space<hbm>> -> memref<200x16xf32, #tpu.memory_space<hbm>>
    %dma_start3A_508 = arith.constant 0 : i32
    %dma_start3A_509 = tpu.memref_slice %arg2[%add3A_505, %dma_start3A_508] : memref<320000x16xf32, #tpu.memory_space<hbm>> -> memref<200x16xf32, #tpu.memory_space<hbm>>
    tpu.enqueue_dma source(%dma_start3A_509 : memref<200x16xf32, #tpu.memory_space<hbm>>) target(%arg5 : memref<200x16xf32, #tpu.memory_space<vmem>>) target_semaphore(%arg7 : memref<!tpu.dma_semaphore, #tpu.memory_space<semaphore_mem>>)
    %dma_wait3A_510 = arith.constant 0 : i32
    %dma_wait3A_511 = tpu.memref_slice %arg2[%add3A_505, %dma_wait3A_510] : memref<320000x16xf32, #tpu.memory_space<hbm>> -> memref<200x16xf32, #tpu.memory_space<hbm>>
    %dma_wait3A_512 = arith.constant 0 : i32
    %dma_wait3A_513 = tpu.memref_slice %arg2[%add3A_505, %dma_wait3A_512] : memref<320000x16xf32, #tpu.memory_space<hbm>> -> memref<200x16xf32, #tpu.memory_space<hbm>>
    tpu.wait_dma2 semaphore(%arg7 : memref<!tpu.dma_semaphore, #tpu.memory_space<semaphore_mem>>) src(%dma_wait3A_513 : memref<200x16xf32, #tpu.memory_space<hbm>>) dst(%arg5 : memref<200x16xf32, #tpu.memory_space<vmem>>)
    %sub3A_514 = arith.constant 160000 : i32
    %sub3A_515 = arith.subi %add3A_4, %sub3A_514 : i32
    %add3A_516 = arith.constant 4600 : i32
    %add3A_517 = arith.addi %sub3A_515, %add3A_516 : i32
    %dma_start3A_518 = arith.constant 0 : i32
    %dma_start3A_519 = tpu.memref_slice %arg3[%add3A_517, %dma_start3A_518] : memref<160000x16xf32, #tpu.memory_space<hbm>> -> memref<200x16xf32, #tpu.memory_space<hbm>>
    %dma_start3A_520 = arith.constant 0 : i32
    %dma_start3A_521 = tpu.memref_slice %arg3[%add3A_517, %dma_start3A_520] : memref<160000x16xf32, #tpu.memory_space<hbm>> -> memref<200x16xf32, #tpu.memory_space<hbm>>
    tpu.enqueue_dma source(%arg5 : memref<200x16xf32, #tpu.memory_space<vmem>>) target(%dma_start3A_521 : memref<200x16xf32, #tpu.memory_space<hbm>>) target_semaphore(%arg9 : memref<!tpu.dma_semaphore, #tpu.memory_space<semaphore_mem>>)
    %dma_wait3A_522 = arith.constant 0 : i32
    %dma_wait3A_523 = tpu.memref_slice %arg3[%add3A_495, %dma_wait3A_522] : memref<160000x16xf32, #tpu.memory_space<hbm>> -> memref<200x16xf32, #tpu.memory_space<hbm>>
    %dma_wait3A_524 = arith.constant 0 : i32
    %dma_wait3A_525 = tpu.memref_slice %arg3[%add3A_495, %dma_wait3A_524] : memref<160000x16xf32, #tpu.memory_space<hbm>> -> memref<200x16xf32, #tpu.memory_space<hbm>>
    tpu.wait_dma2 semaphore(%arg8 : memref<!tpu.dma_semaphore, #tpu.memory_space<semaphore_mem>>) src(%arg4 : memref<200x16xf32, #tpu.memory_space<vmem>>) dst(%dma_wait3A_525 : memref<200x16xf32, #tpu.memory_space<hbm>>)
    %add3A_526 = arith.constant 4800 : i32
    %add3A_527 = arith.addi %add3A_4, %add3A_526 : i32
    %dma_start3A_528 = arith.constant 0 : i32
    %dma_start3A_529 = tpu.memref_slice %arg2[%add3A_527, %dma_start3A_528] : memref<320000x16xf32, #tpu.memory_space<hbm>> -> memref<200x16xf32, #tpu.memory_space<hbm>>
    %dma_start3A_530 = arith.constant 0 : i32
    %dma_start3A_531 = tpu.memref_slice %arg2[%add3A_527, %dma_start3A_530] : memref<320000x16xf32, #tpu.memory_space<hbm>> -> memref<200x16xf32, #tpu.memory_space<hbm>>
    tpu.enqueue_dma source(%dma_start3A_531 : memref<200x16xf32, #tpu.memory_space<hbm>>) target(%arg4 : memref<200x16xf32, #tpu.memory_space<vmem>>) target_semaphore(%arg6 : memref<!tpu.dma_semaphore, #tpu.memory_space<semaphore_mem>>)
    %dma_wait3A_532 = arith.constant 0 : i32
    %dma_wait3A_533 = tpu.memref_slice %arg2[%add3A_527, %dma_wait3A_532] : memref<320000x16xf32, #tpu.memory_space<hbm>> -> memref<200x16xf32, #tpu.memory_space<hbm>>
    %dma_wait3A_534 = arith.constant 0 : i32
    %dma_wait3A_535 = tpu.memref_slice %arg2[%add3A_527, %dma_wait3A_534] : memref<320000x16xf32, #tpu.memory_space<hbm>> -> memref<200x16xf32, #tpu.memory_space<hbm>>
    tpu.wait_dma2 semaphore(%arg6 : memref<!tpu.dma_semaphore, #tpu.memory_space<semaphore_mem>>) src(%dma_wait3A_535 : memref<200x16xf32, #tpu.memory_space<hbm>>) dst(%arg4 : memref<200x16xf32, #tpu.memory_space<vmem>>)
    %sub3A_536 = arith.constant 160000 : i32
    %sub3A_537 = arith.subi %add3A_4, %sub3A_536 : i32
    %add3A_538 = arith.constant 4800 : i32
    %add3A_539 = arith.addi %sub3A_537, %add3A_538 : i32
    %dma_start3A_540 = arith.constant 0 : i32
    %dma_start3A_541 = tpu.memref_slice %arg3[%add3A_539, %dma_start3A_540] : memref<160000x16xf32, #tpu.memory_space<hbm>> -> memref<200x16xf32, #tpu.memory_space<hbm>>
    %dma_start3A_542 = arith.constant 0 : i32
    %dma_start3A_543 = tpu.memref_slice %arg3[%add3A_539, %dma_start3A_542] : memref<160000x16xf32, #tpu.memory_space<hbm>> -> memref<200x16xf32, #tpu.memory_space<hbm>>
    tpu.enqueue_dma source(%arg4 : memref<200x16xf32, #tpu.memory_space<vmem>>) target(%dma_start3A_543 : memref<200x16xf32, #tpu.memory_space<hbm>>) target_semaphore(%arg8 : memref<!tpu.dma_semaphore, #tpu.memory_space<semaphore_mem>>)
    %dma_wait3A_544 = arith.constant 0 : i32
    %dma_wait3A_545 = tpu.memref_slice %arg3[%add3A_517, %dma_wait3A_544] : memref<160000x16xf32, #tpu.memory_space<hbm>> -> memref<200x16xf32, #tpu.memory_space<hbm>>
    %dma_wait3A_546 = arith.constant 0 : i32
    %dma_wait3A_547 = tpu.memref_slice %arg3[%add3A_517, %dma_wait3A_546] : memref<160000x16xf32, #tpu.memory_space<hbm>> -> memref<200x16xf32, #tpu.memory_space<hbm>>
    tpu.wait_dma2 semaphore(%arg9 : memref<!tpu.dma_semaphore, #tpu.memory_space<semaphore_mem>>) src(%arg5 : memref<200x16xf32, #tpu.memory_space<vmem>>) dst(%dma_wait3A_547 : memref<200x16xf32, #tpu.memory_space<hbm>>)
    %dma_wait3A_548 = arith.constant 0 : i32
    %dma_wait3A_549 = tpu.memref_slice %arg3[%add3A_539, %dma_wait3A_548] : memref<160000x16xf32, #tpu.memory_space<hbm>> -> memref<200x16xf32, #tpu.memory_space<hbm>>
    %dma_wait3A_550 = arith.constant 0 : i32
    %dma_wait3A_551 = tpu.memref_slice %arg3[%add3A_539, %dma_wait3A_550] : memref<160000x16xf32, #tpu.memory_space<hbm>> -> memref<200x16xf32, #tpu.memory_space<hbm>>
    tpu.wait_dma2 semaphore(%arg8 : memref<!tpu.dma_semaphore, #tpu.memory_space<semaphore_mem>>) src(%arg4 : memref<200x16xf32, #tpu.memory_space<vmem>>) dst(%dma_wait3A_551 : memref<200x16xf32, #tpu.memory_space<hbm>>)
    return
  }
}

module attributes {stable_mosaic.version = 14 : i64} {
  func.func @_tc_copy_body(%arg0: i32, %arg1: memref<1000x128xf32, #tpu.memory_space<vmem>>, %arg2: memref<2000x16xf32, #tpu.memory_space<vmem>>, %arg3: memref<1000x128xf32, #tpu.memory_space<vmem>>, %arg4: memref<2000x16xf32, #tpu.memory_space<vmem>>) attributes {dimension_semantics = [#tpu.dimension_semantics<arbitrary>], iteration_bounds = array<i64: 80>, scalar_prefetch = 0 : i64, scratch_operands = 0 : i64, tpu.core_type = #tpu.core_type<tc>, window_params = [{transform_indices = @transform_0, window_bounds = array<i64: 1000, 128>}, {transform_indices = @transform_1, window_bounds = array<i64: 2000, 16>}, {transform_indices = @transform_2, window_bounds = array<i64: 1000, 128>}, {transform_indices = @transform_3, window_bounds = array<i64: 2000, 16>}]} {
    %get3A = arith.constant 0 : index
    %get3A_0 = arith.constant 0 : index
    %get3A_1 = vector.load %arg2[%get3A, %get3A_0] : memref<2000x16xf32, #tpu.memory_space<vmem>>, vector<2000x16xf32>
    %swap3A = arith.constant 0 : index
    %swap3A_2 = arith.constant 0 : index
    %swap3A_3 = vector.load %arg4[%swap3A, %swap3A_2] : memref<2000x16xf32, #tpu.memory_space<vmem>>, vector<2000x16xf32>
    tpu.vector_store %arg4[%swap3A, %swap3A_2], %get3A_1 {strides = array<i32>} : memref<2000x16xf32, #tpu.memory_space<vmem>>, vector<2000x16xf32>,
    %lt3A = arith.constant 10 : i32
    %lt3A_4 = arith.cmpi slt, %arg0, %lt3A : i32
    %convert_element_type3A = arith.extui %lt3A_4 : i1 to i32
    %cond3A = arith.constant 0 : i32
    %cond3A_5 = arith.cmpi ne, %convert_element_type3A, %cond3A : i32
    scf.if %cond3A_5 {
      %get3A_6 = arith.constant 0 : index
      %get3A_7 = arith.constant 0 : index
      %get3A_8 = vector.load %arg1[%get3A_6, %get3A_7] : memref<1000x128xf32, #tpu.memory_space<vmem>>, vector<1000x128xf32>
      %swap3A_9 = arith.constant 0 : index
      %swap3A_10 = arith.constant 0 : index
      %swap3A_11 = vector.load %arg3[%swap3A_9, %swap3A_10] : memref<1000x128xf32, #tpu.memory_space<vmem>>, vector<1000x128xf32>
      tpu.vector_store %arg3[%swap3A_9, %swap3A_10], %get3A_8 {strides = array<i32>} : memref<1000x128xf32, #tpu.memory_space<vmem>>, vector<1000x128xf32>,
    } else {
    }
    return
  }
  func.func @transform_0(%arg0: i32) -> (i32, i32) {
    %min3A = arith.constant 9 : i32
    %min3A_0 = arith.minsi %arg0, %min3A : i32
    %c0_i32 = arith.constant 0 : i32
    %c0_i32_1 = arith.constant 0 : i32
    return %min3A_0, %c0_i32 : i32, i32
  }
  func.func @transform_1(%arg0: i32) -> (i32, i32) {
    %c0_i32 = arith.constant 0 : i32
    %c0_i32_0 = arith.constant 0 : i32
    return %arg0, %c0_i32 : i32, i32
  }
  func.func @transform_2(%arg0: i32) -> (i32, i32) {
    %min3A = arith.constant 9 : i32
    %min3A_0 = arith.minsi %arg0, %min3A : i32
    %c0_i32 = arith.constant 0 : i32
    %c0_i32_1 = arith.constant 0 : i32
    return %min3A_0, %c0_i32 : i32, i32
  }
  func.func @transform_3(%arg0: i32) -> (i32, i32) {
    %c0_i32 = arith.constant 0 : i32
    %c0_i32_0 = arith.constant 0 : i32
    return %arg0, %c0_i32 : i32, i32
  }
}

</mosaic_0001>

<sc_bundles>
// kernel: kernel.4.cloned.1.call-start
scs
__scs_entry_jumppad:
0x0: {  	(pc) =	sbr.rel $0x88, $3  }
0x1: {  	(tag) =	ssettag $0x0;
	lr =	simm.s32 $0x1  }
0x2: {  	[smem:$0x3F9F] =	sst lr;
	_ =	strace $0xD0000000  }
0x3: {  	_ = 	snop  }
0x4: {  	_ = 	snop  }
0x5: {  	_ = 	snop  }
0x6: {  	_ = 	snop  }
0x7: {  	_ = 	snop  }
__scs_overlays_trampoline_lowered:
0x8: {  	[smem:$0x3FAE] =	sst s0  }
0x9: {  	[smem:$0x3FAF] =	sst s1  }
0xa: {  	[smem:$0x3FB0] =	sst s2  }
0xb: {  	[smem:$0x3FB1] =	sst s3  }
0xc: {  	[smem:$0x3FB2] =	sst s4  }
0xd: {  	[smem:$0x3FB3] =	sst s5  }
0xe: {  	[smem:$0x3FB4] =	sst s6  }
0xf: {  	[smem:$0x3FB5] =	sst s7  }
0x10: {  	[smem:$0x3FB6] =	sst s8  }
0x11: {  	[smem:$0x3FB7] =	sst s9;
	s0 =	simm.s32 @!p0 $0x0  }
0x12: {  	s1 =	sld [smem:$0x3F9D];
	s0 =	simm.s32 @p0 $0x1  }
0x13: {  	[smem:$0x3FB8] =	sst s0;
	s0 =	simm.s32 @!p1 $0x0  }
0x14: {  	s2 =	sld [smem:$0x3F9C];
	s0 =	simm.s32 @p1 $0x1  }
0x15: {  	[smem:$0x3FB9] =	sst s0;
	s0 =	simm.s32 @!p2 $0x0  }
0x16: {  	s3 =	sld [smem:$0x3FDB];
	s0 =	simm.s32 @p2 $0x1  }
0x17: {  	s4 =	simm.s32 $0x1BF5;
	[smem:$0x3FBB] =	sst s0  }
0x18: {  	s0 =	sld [smem:$0x3F9E];
	_ =	swait.ge [sflag:s4], $0x0  }
0x19: {  	s7 =	sld [smem:$0x3F9F]  }
0x1a: {  	s8 =	sadd.s32 $0xFFFFE003, lr  }
0x1b: {  	s9 =	sadd.s32 $0xFFFFFEF7, lr;
	s5 =	simm.s32 $0xFFFFFFFF;
	p2 =	slt.u32 s8, $0xFFFFF086  }
0x1c: {  	p1 =	slt.u32 s9, $0xF7A;
	s5 =	simm.s32 @!p2 $0x0  }
0x1d: {  	s5 =	simm.s32 @p1 $0x1;
	p0 =	seq.s32 s7, s2  }
0x1e: {  	s7 =	smul.u32 @!p0 $0xF7A, s2;
	p2 =	seq.s32 @!p0 s5, $0x0  }
0x1f: {  	s9 =	smul.u32 $0xF7A, s1;
	s8 =	simm.s32 @!p0 $0x1BF5;
	p2 =	por !p2, p0  }
0x20: {  	[sflag:s8] =	ssyncset.s32 @!p0 $0xFFFFF086;
	s6 =	sadd.s32 @!p0 s3, s7;
	s7 =	simm.s32 @!p0 $0x108  }
0x21: {  	s3 =	sadd.s32 s3, s9;
	s6 =	sadd.s32 @!p0 $0x88, s6;
	s7 =	simm.s32 @p2 $0x1082  }
0x22: {  	[simem:s7], [sflag:s8] =	dma.local @!p0 [hbm:s6], $0xF7A  }
0x23: {  	s9 =	sor.u32 $0xD0000000, s2;
	s6 =	simm.s32 $0x108;
	_ =	swait.ge @!p0 [sflag:s8], $0x0  }
0x24: {  	s3 =	sadd.s32 $0x88, s3;
	s6 =	simm.s32 @!p1 $0x1082;
	[sflag:s4] =	ssyncset.s32 $0xFFFFF086  }
0x25: {  	[simem:s6], [sflag:s4] =	dma.local [hbm:s3], $0xF7A  }
0x26: {  	[smem:$0x3F9F] =	sst s1;
	(tag) =	ssettag s2;
	_ =	strace s9  }
0x27: {  	s1 =	sld [smem:$0x3FAF]  }
0x28: {  	s2 =	sld [smem:$0x3FB0]  }
0x29: {  	s4 =	sld [smem:$0x3FB2]  }
0x2a: {  	p0 =	seq.s32 s5, $0x0;
	s5 =	sld [smem:$0x3FB3]  }
0x2b: {  	s6 =	sld [smem:$0x3FB4]  }
0x2c: {  	s7 =	sld [smem:$0x3FB5]  }
0x2d: {  	s3 =	simm.s32 $0x108;
	s8 =	sld [smem:$0x3FB6]  }
0x2e: {  	s3 =	simm.s32 @!p0 $0x1082;
	s9 =	sld [smem:$0x3FB7]  }
0x2f: {  	lr =	sadd.s32 s0, s3;
	s0 =	sld [smem:$0x3FAE]  }
0x30: {  	s3 =	sld [smem:$0x3FB1]  }
0x31: {  	[smem:$0x3FBA] =	sst s10  }
0x32: {  	s10 =	sld [smem:$0x3FB8];
	_ =	sdelay $0x3  }
0x33: {  	p0 =	seq.s32 s10, $0x1;
	s10 =	sld [smem:$0x3FBA];
	_ =	sdelay $0x3  }
0x34: {  	[smem:$0x3FBA] =	sst s10  }
0x35: {  	s10 =	sld [smem:$0x3FB9];
	_ =	sdelay $0x3  }
0x36: {  	p1 =	seq.s32 s10, $0x1;
	s10 =	sld [smem:$0x3FBA];
	_ =	sdelay $0x3  }
0x37: {  	[smem:$0x3FBA] =	sst s10  }
0x38: {  	s10 =	sld [smem:$0x3FBB]  }
0x39: {  	_ = 	snop;
	(pc) =	sbr.ind lr, $3  }
0x3a: {  	_ = 	snop  }
0x3b: {  	_ = 	snop  }
0x3c: {  	p2 =	seq.s32 s10, $0x1;
	s10 =	sld [smem:$0x3FBA]  }
0x3d: {  	_ =	shalt  }
0x3e: {  	_ =	shalt  }
0x3f: {  	_ =	shalt  }
0x40: {  	_ =	shalt  }
0x41: {  	_ =	shalt  }
0x42: {  	_ =	shalt  }
0x43: {  	_ =	shalt  }
0x44: {  	_ =	shalt  }
0x45: {  	_ =	shalt  }
0x46: {  	_ =	shalt  }
0x47: {  	_ =	shalt  }
0x48: {  	_ =	shalt  }
0x49: {  	_ =	shalt  }
0x4a: {  	_ =	shalt  }
0x4b: {  	_ =	shalt  }
0x4c: {  	_ =	shalt  }
0x4d: {  	_ =	shalt  }
0x4e: {  	_ =	shalt  }
0x4f: {  	_ =	shalt  }
0x50: {  	_ =	shalt  }
0x51: {  	_ =	shalt  }
0x52: {  	_ =	shalt  }
0x53: {  	_ =	shalt  }
0x54: {  	_ =	shalt  }
0x55: {  	_ =	shalt  }
0x56: {  	_ =	shalt  }
0x57: {  	_ =	shalt  }
0x58: {  	_ =	shalt  }
0x59: {  	_ =	shalt  }
0x5a: {  	_ =	shalt  }
0x5b: {  	_ =	shalt  }
0x5c: {  	_ =	shalt  }
0x5d: {  	_ =	shalt  }
0x5e: {  	_ =	shalt  }
0x5f: {  	_ =	shalt  }
0x60: {  	_ =	shalt  }
0x61: {  	_ =	shalt  }
0x62: {  	_ =	shalt  }
0x63: {  	_ =	shalt  }
0x64: {  	_ =	shalt  }
0x65: {  	_ =	shalt  }
0x66: {  	_ =	shalt  }
0x67: {  	_ =	shalt  }
0x68: {  	_ =	shalt  }
0x69: {  	_ =	shalt  }
0x6a: {  	_ =	shalt  }
0x6b: {  	_ =	shalt  }
0x6c: {  	_ =	shalt  }
0x6d: {  	_ =	shalt  }
0x6e: {  	_ =	shalt  }
0x6f: {  	_ =	shalt  }
0x70: {  	_ =	shalt  }
0x71: {  	_ =	shalt  }
0x72: {  	_ =	shalt  }
0x73: {  	_ =	shalt  }
0x74: {  	_ =	shalt  }
0x75: {  	_ =	shalt  }
0x76: {  	_ =	shalt  }
0x77: {  	_ =	shalt  }
0x78: {  	_ =	shalt  }
0x79: {  	_ =	shalt  }
0x7a: {  	_ =	shalt  }
0x7b: {  	_ =	shalt  }
0x7c: {  	_ =	shalt  }
0x7d: {  	_ =	shalt  }
0x7e: {  	_ =	shalt  }
0x7f: {  	_ =	shalt  }
0x80: {  	_ =	shalt  }
0x81: {  	_ =	shalt  }
0x82: {  	_ =	shalt  }
0x83: {  	_ =	shalt  }
0x84: {  	_ =	shalt  }
0x85: {  	_ =	shalt  }
0x86: {  	_ =	shalt  }
0x87: {  	_ =	shalt  }
.Lfunc_end0:
.L_simem_size_0:
called_computation_lowered:
.L_overlay_start_0:
0x88: {  	s2 =	sld [smem:$0x3FD9]  }
0x89: {  	s3 =	sld [smem:$0x3FFE];
	_ =	sdelay $0x1  }
0x8a: {  	s1 =	srdreg.scid  }
0x8b: {  	s0 =	sand.u32 $0x1, s1  }
0x8c: {  	s16 =	sshll.u32 s0, $0xA;
	s2 =	sadd.s32 s3, s2  }
0x8d: {  	s2 =	sadd.s32 s2, s16  }
0x8e: {  	[smem:$0x3FC6] =	sst s2  }
0x8f: {  	_ = 	snop  }
0x90: {  	(tm) =	ssettm $0x1  }
0x91: {  	s17 =	sld [smem:$0x3FFB];
	_ =	sdelay $0x3  }
0x92: {  	_ =	strace s17  }
0x93: {  	s2 =	sld [smem:$0x3FFC];
	_ =	sdelay $0x3  }
0x94: {  	_ =	strace s2  }
0x95: {  	s2 =	sld [smem:$0x3FFD];
	_ =	sdelay $0x3  }
0x96: {  	_ =	strace s2  }
0x97: {  	_ =	strace $0x8FFFFFFF  }
0x98: {  	s18 =	sld [smem:$0x3FDB];
	_ =	sdelay $0x1  }
0x99: {  	s19 =	simm.s32 $_scs_section_size  }
0x9a: {  	s4 =	simm.s32 $_size__tile_overlayer_lowered;
	s5 =	simm.s32 $_tile_overlayer_lowered  }
0x9b: {  	s22 =	simm.s32 $0x1BFF;
	s21 =	sshll.u32 s5, $0x1;
	s2 =	sadd.s32 s19, s18  }
0x9c: {  	s6 =	simm.s32 $0x0;
	s20 =	sshll.u32 s4, $0x1;
	s4 =	sadd.s32 s21, s2  }
0x9d: {  	[timem:s6], [sflag:s22] =	dma.local [hbm:s4], s20  }
0x9e: {  	_ =	swait.ge [sflag:s22], s20  }
0x9f: {  	s3 =	ssub.s32 $0x0, s20;
	[sflag:s22] =	ssyncset.done $0x0  }
0xa0: {  	[sflag:s22] =	ssyncadd.s32 s3;
	_ =	sdelay $0x1  }
0xa1: {  	s23 =	simm.s32 $0x1B8B  }
0xa2: {  	_ =	swait.ge [sflag:s23], $0x1  }
0xa3: {  	[sflag:s23] =	ssyncset.done $0x0  }
0xa4: {  	s25 =	simm.s32 $0x1B8E;
	s24 =	sld [smem:$0x3FFE];
	[sflag:s23] =	ssyncadd.s32 $0xFFFFFFFF  }
0xa5: {  	s26 =	simm.s32 $execute0_lowered;
	[smem:$0x3FD2] =	sst s25  }
0xa6: {  	s4 =	sshll.u32 s26, $0x1;
	_ =	strace $0x80000046;
	[dreg:$0x1] =	wrdreg $0xFFFFFFFF  }
0xa7: {  	s28 =	simm.s32 $_size_execute0_lowered;
	s2 =	sadd.s32 s2, s4;
	[dreg:$0x0] =	wrdreg $0x0  }
0xa8: {  	s4 =	sshll.u32 s28, $0x1;
	[dreg:$0x2] =	wrdreg s2  }
0xa9: {  	[dreg:$0x3] =	wrdreg s4  }
0xaa: {  	[dreg:$0x4] =	wrdreg $0xC0  }
0xab: {  	_ =	task [dreg:s6], $0x5FFFF  }
0xac: {  	[dreg:$0x1] =	wrdreg $0xFFFFFFFF  }
0xad: {  	[dreg:$0x0] =	wrdreg $0x60  }
0xae: {  	[dreg:$0x2] =	wrdreg s24  }
0xaf: {  	[dreg:$0x3] =	wrdreg $0x9  }
0xb0: {  	_ =	task.clear_ibuf [dreg:s6], $0x4FFFF;
	_ =	strace $0x90000046  }
0xb1: {  	s29 =	simm.s32 $0x9;
	_ =	strace $0x80000048  }
0xb2: {  	_ =	swait.ge [sflag:s29], $0x1  }
0xb3: {  	[sflag:s29] =	ssyncadd.s32 $0xFFFFFFFF  }
0xb4: {  	_ =	strace $0x90000048  }
0xb5: {  	_ =	sfence  }
0xb6: {  	s30 =	sld [smem:$0x0];
	_ =	sdelay $0x2  }
0xb7: {  	s31 =	sshll.u32 s1, $0xD;
	s1 =	sshrl.u32 s1, $0x2  }
0xb8: {  	s3 =	sand.u32 $0x4000, s31;
	s1 =	sadd.s32 s1, s30  }
0xb9: {  	s0 =	sor.u32 s3, s0;
	s1 =	sshll.u32 s1, $0x11  }
0xba: {  	s0 =	sor.u32 s1, s0  }
0xbb: {  	s0 =	sadd.s32 $0x8F2B, s0  }
0xbc: {  	[sflag:s0] =	ssyncadd.remote.s32 $0x1  }
0xbd: {  	_ =	sfence.sel $0xFFFF  }
0xbe: {  	[dreg:$0x0] =	wrdreg $0xFFFFFFFF;
	(pc) =	sbr.abs _section_cstart, $3  }
0xbf: {  	[dreg:$0x1] =	wrdreg $0xFFFFFFFF  }
0xc0: {  	_ =	task.clear_ibuf [dreg:s6], $0x2FFFF;
	_ =	strace $0x9FFFFFFF  }
0xc1: {  	(tm) =	ssettm $0x7FFFFFFF  }
tec
execute0_lowered:
.L_overlay_start_1:
0x0: {  	(tag) =	ssettag $0x1  }
0x1: {  	s0 =	srdreg.scid;
	s1 =	stileid.u32  }
0x2: {  	s0 =	sand.u32 $0x1, s0;
	s1 =	sshll.u32 s1, $0x1  }
0x3: {  	s3 =	sor.u32 s0, s1  }
0x4: {  	s1 =	smul.u32 $0x9C400, s3;
	_ =	sdelay $0x1  }
0x5: {  	s4 =	rddreg [dreg:$0x0];
	s2 =	simm.s32 $0x0;
	s5 =	sshrl.u32 s1, $0x3  }
0x6: {  	[smem:$0x7FF] =	sst s2;
	s3 =	smul.u32 $0x13880, s3;
	s1 =	sadd.s32 s5, s4  }
0x7: {  	s4 =	sadd.s32 $0x4E2800, s4;
	s6 =	sadd.s32 $0x271800, s1  }
0x8: {  	_ =	strace $0x80000047;
	s3 =	sadd.s32 s4, s3;
	[dreg:$0x2] =	wrdreg s6  }
0x9: {  	s12 =	sadd.s32 $0x272480, s1;
	[dreg:$0x3] =	wrdreg s3  }
0xa: {  	p0 =	por $0x0, $0x0;
	s13 =	sadd.s32 $0x273100, s1;
	[dreg:$0x4] =	wrdreg s12  }
0xb: {  	s0 =	ssub.s32 $0x2, s0;
	s15 =	sadd.s32 $0x273D80, s1;
	[dreg:$0x6] =	wrdreg s13  }
0xc: {  	s11 =	sshrl.u32 s0, $0x1;
	s17 =	sadd.s32 $0x274A00, s1;
	[dreg:$0x8] =	wrdreg s15  }
0xd: {  	s0 =	ssub.s32 s0, s11;
	s19 =	sadd.s32 $0x275680, s1;
	[dreg:$0xa] =	wrdreg s17  }
0xe: {  	s0 =	smax.u32 s0, $0x1;
	s21 =	sadd.s32 $0x276300, s1;
	[dreg:$0xc] =	wrdreg s19  }
0xf: {  	p1 =	sne.s32 s0, $0x1;
	s23 =	sadd.s32 $0x276F80, s1;
	[dreg:$0xe] =	wrdreg s21  }
0x10: {  	s25 =	sadd.s32 $0x277C00, s1;
	s7 =	sadd.s32 $0x279500, s1;
	[dreg:$0x10] =	wrdreg s23  }
0x11: {  	s9 =	sadd.s32 $0x27A180, s1;
	s30 =	sadd.s32 $0x27C700, s1;
	[dreg:$0x12] =	wrdreg s25  }
0x12: {  	s28 =	sadd.s32 $0x27D380, s1;
	s11 =	sadd.s32 $0x282B00, s1;
	[dreg:$0x16] =	wrdreg s7  }
0x13: {  	s3 =	sadd.s32 s4, s5;
	s5 =	sadd.s32 $0x278880, s1;
	[dreg:$0x18] =	wrdreg s9  }
0x14: {  	s12 =	sadd.s32 $0x27AE00, s1;
	s13 =	sadd.s32 $0x27BA80, s1;
	[dreg:$0x14] =	wrdreg s5  }
0x15: {  	s25 =	sadd.s32 $0x27E000, s1;
	s23 =	sadd.s32 $0x27EC80, s1;
	[dreg:$0x1a] =	wrdreg s12  }
0x16: {  	s21 =	sadd.s32 $0x27F900, s1;
	s4 =	sadd.s32 $0xC80, s3;
	[dreg:$0x1c] =	wrdreg s13  }
0x17: {  	s17 =	sadd.s32 $0x281200, s1;
	s14 =	sadd.s32 $0x1900, s3;
	[dreg:$0x5] =	wrdreg s4  }
0x18: {  	s15 =	sadd.s32 $0x281E80, s1;
	s16 =	sadd.s32 $0x2580, s3;
	[dreg:$0x7] =	wrdreg s14  }
0x19: {  	s9 =	sadd.s32 $0x283780, s1;
	s18 =	sadd.s32 $0x3200, s3;
	[dreg:$0x9] =	wrdreg s16  }
0x1a: {  	s7 =	simm.s32 $0x4;
	s20 =	sadd.s32 $0x3E80, s3;
	[dreg:$0xb] =	wrdreg s18  }
0x1b: {  	s22 =	sadd.s32 $0x4B00, s3;
	s24 =	sadd.s32 $0x5780, s3;
	[dreg:$0xd] =	wrdreg s20  }
0x1c: {  	s26 =	sadd.s32 $0x6400, s3;
	s6 =	sadd.s32 $0x7080, s3;
	[dreg:$0xf] =	wrdreg s22  }
0x1d: {  	s8 =	sadd.s32 $0x7D00, s3;
	s10 =	sadd.s32 $0x8980, s3;
	[dreg:$0x11] =	wrdreg s24  }
0x1e: {  	s19 =	sadd.s32 $0x9600, s3;
	s31 =	sadd.s32 $0xA280, s3;
	[dreg:$0x13] =	wrdreg s26  }
0x1f: {  	s29 =	sadd.s32 $0xAF00, s3;
	s12 =	simm.s32 $0x6400;
	[dreg:$0x15] =	wrdreg s6  }
0x20: {  	s13 =	simm.s32 $0x2;
	s5 =	simm.s32 $0x3;
	[dreg:$0x17] =	wrdreg s8  }
0x21: {  	[dreg:$0x19] =	wrdreg s10;
	s26 =	sadd.s32 $0xBB80, s3;
	s24 =	sadd.s32 $0xC800, s3  }
.Ltmp0:
0x22: {  	s22 =	sadd.s32 $0xD480, s3;
	s20 =	sadd.s32 $0xE100, s3;
	(pc) =	sbr.rel @!p1 .LBB2_3-.Ltmp0, $4  }
0x23: {  	[dreg:$0x1b] =	wrdreg s19;
	s19 =	sadd.s32 $0x280580, s1;
	s18 =	sadd.s32 $0xED80, s3  }
0x24: {  	s16 =	sadd.s32 $0xFA00, s3;
	s14 =	sadd.s32 $0x10680, s3;
	s10 =	sadd.s32 $0x11300, s3  }
0x25: {  	s4 =	sadd.s32 $0x284400, s1;
	s8 =	sadd.s32 $0x11F80, s3;
	s3 =	sadd.s32 $0x12C00, s3  }
0x26: {  	s1 =	sadd.s32 $0xFFFFFFFF, s0;
	s6 =	simm.s32 $0x1;
	s0 =	rddreg [dreg:$0x2]  }
0x27: {  	[tilespmem:s2], [sflag:$0x1] =	stream.linear.gather [hbm4b:s0+s2], $0x6400, $0x38;
	[tilespmem:$0xC800] =	vst v63  }
0x28: {  	_ =	swait.ge [sflag:s6], $0x6400  }
0x29: {  	[dreg:$0x1d] =	wrdreg s1;
	[sflag:s6] =	ssyncset.done $0x0  }
0x2a: {  	s0 =	rddreg [dreg:$0x3];
	[sflag:s6] =	ssyncadd.s32 $0xFFFF9C00  }
0x2b: {  	[hbm4b:s0+s2] =	stream.linear.scatter [tilespmem:s2], [sflag:$0x3], $0x6400, $0x38;
	[tilespmem:$0xC800] =	vst v63  }
0x2c: {  	s1 =	rddreg [dreg:$0x4]  }
0x2d: {  	[tilespmem:s12], [sflag:$0x2] =	stream.linear.gather [hbm4b:s1+s2], $0x6400, $0x38;
	[tilespmem:$0xC800] =	vst v63  }
0x2e: {  	_ =	swait.ge [sflag:s13], $0x6400  }
0x2f: {  	[sflag:s13] =	ssyncset.done $0x0  }
0x30: {  	s1 =	rddreg [dreg:$0x5];
	[sflag:s13] =	ssyncadd.s32 $0xFFFF9C00  }
0x31: {  	[hbm4b:s1+s2] =	stream.linear.scatter [tilespmem:s12], [sflag:$0x4], $0x6400, $0x38;
	[tilespmem:$0xC800] =	vst v63  }
0x32: {  	_ =	swait.ge [sflag:s5], $0x6400  }
0x33: {  	[sflag:s5] =	ssyncset.done $0x0  }
0x34: {  	s1 =	rddreg [dreg:$0x6];
	[sflag:s5] =	ssyncadd.s32 $0xFFFF9C00  }
0x35: {  	[tilespmem:s2], [sflag:$0x1] =	stream.linear.gather [hbm4b:s1+s2], $0x6400, $0x38;
	[tilespmem:$0xC800] =	vst v63  }
0x36: {  	_ =	swait.ge [sflag:s6], $0x6400  }
0x37: {  	[sflag:s6] =	ssyncset.done $0x0  }
0x38: {  	s1 =	rddreg [dreg:$0x7];
	[sflag:s6] =	ssyncadd.s32 $0xFFFF9C00  }
0x39: {  	[hbm4b:s1+s2] =	stream.linear.scatter [tilespmem:s2], [sflag:$0x3], $0x6400, $0x38;
	[tilespmem:$0xC800] =	vst v63  }
0x3a: {  	_ =	swait.ge [sflag:s7], $0x6400  }
0x3b: {  	[sflag:s7] =	ssyncset.done $0x0  }
0x3c: {  	s1 =	rddreg [dreg:$0x8];
	[sflag:s7] =	ssyncadd.s32 $0xFFFF9C00  }
0x3d: {  	[tilespmem:s12], [sflag:$0x2] =	stream.linear.gather [hbm4b:s1+s2], $0x6400, $0x38;
	[tilespmem:$0xC800] =	vst v63  }
0x3e: {  	_ =	swait.ge [sflag:s13], $0x6400  }
0x3f: {  	[sflag:s13] =	ssyncset.done $0x0  }
0x40: {  	s1 =	rddreg [dreg:$0x9];
	[sflag:s13] =	ssyncadd.s32 $0xFFFF9C00  }
0x41: {  	[hbm4b:s1+s2] =	stream.linear.scatter [tilespmem:s12], [sflag:$0x4], $0x6400, $0x38;
	[tilespmem:$0xC800] =	vst v63  }
0x42: {  	_ =	swait.ge [sflag:s5], $0x6400  }
0x43: {  	[sflag:s5] =	ssyncset.done $0x0  }
0x44: {  	s1 =	rddreg [dreg:$0xa];
	[sflag:s5] =	ssyncadd.s32 $0xFFFF9C00  }
0x45: {  	[tilespmem:s2], [sflag:$0x1] =	stream.linear.gather [hbm4b:s1+s2], $0x6400, $0x38;
	[tilespmem:$0xC800] =	vst v63  }
0x46: {  	_ =	swait.ge [sflag:s6], $0x6400  }
0x47: {  	[sflag:s6] =	ssyncset.done $0x0  }
0x48: {  	s1 =	rddreg [dreg:$0xb];
	[sflag:s6] =	ssyncadd.s32 $0xFFFF9C00  }
0x49: {  	[hbm4b:s1+s2] =	stream.linear.scatter [tilespmem:s2], [sflag:$0x3], $0x6400, $0x38;
	[tilespmem:$0xC800] =	vst v63  }
0x4a: {  	_ =	swait.ge [sflag:s7], $0x6400  }
0x4b: {  	[sflag:s7] =	ssyncset.done $0x0  }
0x4c: {  	s1 =	rddreg [dreg:$0xc];
	[sflag:s7] =	ssyncadd.s32 $0xFFFF9C00  }
0x4d: {  	[tilespmem:s12], [sflag:$0x2] =	stream.linear.gather [hbm4b:s1+s2], $0x6400, $0x38;
	[tilespmem:$0xC800] =	vst v63  }
0x4e: {  	_ =	swait.ge [sflag:s13], $0x6400  }
0x4f: {  	[sflag:s13] =	ssyncset.done $0x0  }
0x50: {  	s1 =	rddreg [dreg:$0xd];
	[sflag:s13] =	ssyncadd.s32 $0xFFFF9C00  }
0x51: {  	[hbm4b:s1+s2] =	stream.linear.scatter [tilespmem:s12], [sflag:$0x4], $0x6400, $0x38;
	[tilespmem:$0xC800] =	vst v63  }
0x52: {  	_ =	swait.ge [sflag:s5], $0x6400  }
0x53: {  	[sflag:s5] =	ssyncset.done $0x0  }
0x54: {  	s1 =	rddreg [dreg:$0xe];
	[sflag:s5] =	ssyncadd.s32 $0xFFFF9C00  }
0x55: {  	[tilespmem:s2], [sflag:$0x1] =	stream.linear.gather [hbm4b:s1+s2], $0x6400, $0x38;
	[tilespmem:$0xC800] =	vst v63  }
0x56: {  	_ =	swait.ge [sflag:s6], $0x6400  }
0x57: {  	[sflag:s6] =	ssyncset.done $0x0  }
0x58: {  	s1 =	rddreg [dreg:$0xf];
	[sflag:s6] =	ssyncadd.s32 $0xFFFF9C00  }
0x59: {  	[hbm4b:s1+s2] =	stream.linear.scatter [tilespmem:s2], [sflag:$0x3], $0x6400, $0x38;
	[tilespmem:$0xC800] =	vst v63  }
0x5a: {  	_ =	swait.ge [sflag:s7], $0x6400  }
0x5b: {  	[sflag:s7] =	ssyncset.done $0x0  }
0x5c: {  	s1 =	rddreg [dreg:$0x10];
	[sflag:s7] =	ssyncadd.s32 $0xFFFF9C00  }
0x5d: {  	[tilespmem:s12], [sflag:$0x2] =	stream.linear.gather [hbm4b:s1+s2], $0x6400, $0x38;
	[tilespmem:$0xC800] =	vst v63  }
0x5e: {  	_ =	swait.ge [sflag:s13], $0x6400  }
0x5f: {  	[sflag:s13] =	ssyncset.done $0x0  }
0x60: {  	s1 =	rddreg [dreg:$0x11];
	[sflag:s13] =	ssyncadd.s32 $0xFFFF9C00  }
0x61: {  	[hbm4b:s1+s2] =	stream.linear.scatter [tilespmem:s12], [sflag:$0x4], $0x6400, $0x38;
	[tilespmem:$0xC800] =	vst v63  }
0x62: {  	_ =	swait.ge [sflag:s5], $0x6400  }
0x63: {  	[sflag:s5] =	ssyncset.done $0x0  }
0x64: {  	s1 =	rddreg [dreg:$0x12];
	[sflag:s5] =	ssyncadd.s32 $0xFFFF9C00  }
0x65: {  	[tilespmem:s2], [sflag:$0x1] =	stream.linear.gather [hbm4b:s1+s2], $0x6400, $0x38;
	[tilespmem:$0xC800] =	vst v63  }
0x66: {  	_ =	swait.ge [sflag:s6], $0x6400  }
0x67: {  	[sflag:s6] =	ssyncset.done $0x0  }
0x68: {  	s1 =	rddreg [dreg:$0x13];
	[sflag:s6] =	ssyncadd.s32 $0xFFFF9C00  }
0x69: {  	[hbm4b:s1+s2] =	stream.linear.scatter [tilespmem:s2], [sflag:$0x3], $0x6400, $0x38;
	[tilespmem:$0xC800] =	vst v63  }
0x6a: {  	_ =	swait.ge [sflag:s7], $0x6400  }
0x6b: {  	[sflag:s7] =	ssyncset.done $0x0  }
0x6c: {  	s1 =	rddreg [dreg:$0x14];
	[sflag:s7] =	ssyncadd.s32 $0xFFFF9C00  }
0x6d: {  	[tilespmem:s12], [sflag:$0x2] =	stream.linear.gather [hbm4b:s1+s2], $0x6400, $0x38;
	[tilespmem:$0xC800] =	vst v63  }
0x6e: {  	_ =	swait.ge [sflag:s13], $0x6400  }
0x6f: {  	[sflag:s13] =	ssyncset.done $0x0  }
0x70: {  	s1 =	rddreg [dreg:$0x15];
	[sflag:s13] =	ssyncadd.s32 $0xFFFF9C00  }
0x71: {  	[hbm4b:s1+s2] =	stream.linear.scatter [tilespmem:s12], [sflag:$0x4], $0x6400, $0x38;
	[tilespmem:$0xC800] =	vst v63  }
0x72: {  	_ =	swait.ge [sflag:s5], $0x6400  }
0x73: {  	[sflag:s5] =	ssyncset.done $0x0  }
0x74: {  	s1 =	rddreg [dreg:$0x16];
	[sflag:s5] =	ssyncadd.s32 $0xFFFF9C00  }
0x75: {  	[tilespmem:s2], [sflag:$0x1] =	stream.linear.gather [hbm4b:s1+s2], $0x6400, $0x38;
	[tilespmem:$0xC800] =	vst v63  }
0x76: {  	_ =	swait.ge [sflag:s6], $0x6400  }
0x77: {  	[sflag:s6] =	ssyncset.done $0x0  }
0x78: {  	s1 =	rddreg [dreg:$0x17];
	[sflag:s6] =	ssyncadd.s32 $0xFFFF9C00  }
0x79: {  	[hbm4b:s1+s2] =	stream.linear.scatter [tilespmem:s2], [sflag:$0x3], $0x6400, $0x38;
	[tilespmem:$0xC800] =	vst v63  }
0x7a: {  	_ =	swait.ge [sflag:s7], $0x6400  }
0x7b: {  	[sflag:s7] =	ssyncset.done $0x0  }
0x7c: {  	s1 =	rddreg [dreg:$0x18];
	[sflag:s7] =	ssyncadd.s32 $0xFFFF9C00  }
0x7d: {  	[tilespmem:s12], [sflag:$0x2] =	stream.linear.gather [hbm4b:s1+s2], $0x6400, $0x38;
	[tilespmem:$0xC800] =	vst v63  }
0x7e: {  	_ =	swait.ge [sflag:s13], $0x6400  }
0x7f: {  	[sflag:s13] =	ssyncset.done $0x0  }
0x80: {  	s1 =	rddreg [dreg:$0x19];
	[sflag:s13] =	ssyncadd.s32 $0xFFFF9C00  }
0x81: {  	[hbm4b:s1+s2] =	stream.linear.scatter [tilespmem:s12], [sflag:$0x4], $0x6400, $0x38;
	[tilespmem:$0xC800] =	vst v63  }
0x82: {  	_ =	swait.ge [sflag:s5], $0x6400  }
0x83: {  	[sflag:s5] =	ssyncset.done $0x0  }
0x84: {  	s1 =	rddreg [dreg:$0x1a];
	[sflag:s5] =	ssyncadd.s32 $0xFFFF9C00  }
0x85: {  	[tilespmem:s2], [sflag:$0x1] =	stream.linear.gather [hbm4b:s1+s2], $0x6400, $0x38;
	[tilespmem:$0xC800] =	vst v63  }
0x86: {  	_ =	swait.ge [sflag:s6], $0x6400  }
0x87: {  	[sflag:s6] =	ssyncset.done $0x0  }
0x88: {  	s1 =	rddreg [dreg:$0x1b];
	[sflag:s6] =	ssyncadd.s32 $0xFFFF9C00  }
0x89: {  	[hbm4b:s1+s2] =	stream.linear.scatter [tilespmem:s2], [sflag:$0x3], $0x6400, $0x38;
	[tilespmem:$0xC800] =	vst v63  }
0x8a: {  	_ =	swait.ge [sflag:s7], $0x6400  }
0x8b: {  	[sflag:s7] =	ssyncset.done $0x0  }
0x8c: {  	s1 =	rddreg [dreg:$0x1c];
	[sflag:s7] =	ssyncadd.s32 $0xFFFF9C00  }
0x8d: {  	[tilespmem:s12], [sflag:$0x2] =	stream.linear.gather [hbm4b:s1+s2], $0x6400, $0x38;
	[tilespmem:$0xC800] =	vst v63  }
0x8e: {  	_ =	swait.ge [sflag:s13], $0x6400  }
0x8f: {  	[sflag:s13] =	ssyncset.done $0x0  }
0x90: {  	[sflag:s13] =	ssyncadd.s32 $0xFFFF9C00  }
0x91: {  	[hbm4b:s31+s2] =	stream.linear.scatter [tilespmem:s12], [sflag:$0x4], $0x6400, $0x38;
	[tilespmem:$0xC800] =	vst v63  }
0x92: {  	_ =	swait.ge [sflag:s5], $0x6400  }
0x93: {  	[sflag:s5] =	ssyncset.done $0x0  }
0x94: {  	[sflag:s5] =	ssyncadd.s32 $0xFFFF9C00  }
0x95: {  	[tilespmem:s2], [sflag:$0x1] =	stream.linear.gather [hbm4b:s30+s2], $0x6400, $0x38;
	[tilespmem:$0xC800] =	vst v63  }
0x96: {  	_ =	swait.ge [sflag:s6], $0x6400  }
0x97: {  	[sflag:s6] =	ssyncset.done $0x0  }
0x98: {  	[sflag:s6] =	ssyncadd.s32 $0xFFFF9C00  }
0x99: {  	[hbm4b:s29+s2] =	stream.linear.scatter [tilespmem:s2], [sflag:$0x3], $0x6400, $0x38;
	[tilespmem:$0xC800] =	vst v63  }
0x9a: {  	_ =	swait.ge [sflag:s7], $0x6400  }
0x9b: {  	[sflag:s7] =	ssyncset.done $0x0  }
0x9c: {  	[sflag:s7] =	ssyncadd.s32 $0xFFFF9C00  }
0x9d: {  	[tilespmem:s12], [sflag:$0x2] =	stream.linear.gather [hbm4b:s28+s2], $0x6400, $0x38;
	[tilespmem:$0xC800] =	vst v63  }
0x9e: {  	_ =	swait.ge [sflag:s13], $0x6400  }
0x9f: {  	[sflag:s13] =	ssyncset.done $0x0  }
0xa0: {  	[sflag:s13] =	ssyncadd.s32 $0xFFFF9C00  }
0xa1: {  	[hbm4b:s26+s2] =	stream.linear.scatter [tilespmem:s12], [sflag:$0x4], $0x6400, $0x38;
	[tilespmem:$0xC800] =	vst v63  }
0xa2: {  	_ =	swait.ge [sflag:s5], $0x6400  }
0xa3: {  	[sflag:s5] =	ssyncset.done $0x0  }
0xa4: {  	[sflag:s5] =	ssyncadd.s32 $0xFFFF9C00  }
0xa5: {  	[tilespmem:s2], [sflag:$0x1] =	stream.linear.gather [hbm4b:s25+s2], $0x6400, $0x38;
	[tilespmem:$0xC800] =	vst v63  }
0xa6: {  	_ =	swait.ge [sflag:s6], $0x6400  }
0xa7: {  	[sflag:s6] =	ssyncset.done $0x0  }
0xa8: {  	[sflag:s6] =	ssyncadd.s32 $0xFFFF9C00  }
0xa9: {  	[hbm4b:s24+s2] =	stream.linear.scatter [tilespmem:s2], [sflag:$0x3], $0x6400, $0x38;
	[tilespmem:$0xC800] =	vst v63  }
0xaa: {  	_ =	swait.ge [sflag:s7], $0x6400  }
0xab: {  	[sflag:s7] =	ssyncset.done $0x0  }
0xac: {  	[sflag:s7] =	ssyncadd.s32 $0xFFFF9C00  }
0xad: {  	[tilespmem:s12], [sflag:$0x2] =	stream.linear.gather [hbm4b:s23+s2], $0x6400, $0x38;
	[tilespmem:$0xC800] =	vst v63  }
0xae: {  	_ =	swait.ge [sflag:s13], $0x6400  }
0xaf: {  	[sflag:s13] =	ssyncset.done $0x0  }
0xb0: {  	[sflag:s13] =	ssyncadd.s32 $0xFFFF9C00  }
0xb1: {  	[hbm4b:s22+s2] =	stream.linear.scatter [tilespmem:s12], [sflag:$0x4], $0x6400, $0x38;
	[tilespmem:$0xC800] =	vst v63  }
0xb2: {  	_ =	swait.ge [sflag:s5], $0x6400  }
0xb3: {  	[sflag:s5] =	ssyncset.done $0x0  }
0xb4: {  	[sflag:s5] =	ssyncadd.s32 $0xFFFF9C00  }
0xb5: {  	[tilespmem:s2], [sflag:$0x1] =	stream.linear.gather [hbm4b:s21+s2], $0x6400, $0x38;
	[tilespmem:$0xC800] =	vst v63  }
0xb6: {  	_ =	swait.ge [sflag:s6], $0x6400  }
0xb7: {  	[sflag:s6] =	ssyncset.done $0x0  }
0xb8: {  	[sflag:s6] =	ssyncadd.s32 $0xFFFF9C00  }
0xb9: {  	[hbm4b:s20+s2] =	stream.linear.scatter [tilespmem:s2], [sflag:$0x3], $0x6400, $0x38;
	[tilespmem:$0xC800] =	vst v63  }
0xba: {  	_ =	swait.ge [sflag:s7], $0x6400  }
0xbb: {  	[sflag:s7] =	ssyncset.done $0x0  }
0xbc: {  	[sflag:s7] =	ssyncadd.s32 $0xFFFF9C00  }
0xbd: {  	[tilespmem:s12], [sflag:$0x2] =	stream.linear.gather [hbm4b:s19+s2], $0x6400, $0x38;
	[tilespmem:$0xC800] =	vst v63  }
0xbe: {  	_ =	swait.ge [sflag:s13], $0x6400  }
0xbf: {  	[sflag:s13] =	ssyncset.done $0x0  }
0xc0: {  	[sflag:s13] =	ssyncadd.s32 $0xFFFF9C00  }
0xc1: {  	[hbm4b:s18+s2] =	stream.linear.scatter [tilespmem:s12], [sflag:$0x4], $0x6400, $0x38;
	[tilespmem:$0xC800] =	vst v63  }
0xc2: {  	_ =	swait.ge [sflag:s5], $0x6400  }
0xc3: {  	[sflag:s5] =	ssyncset.done $0x0  }
0xc4: {  	[sflag:s5] =	ssyncadd.s32 $0xFFFF9C00  }
0xc5: {  	[tilespmem:s2], [sflag:$0x1] =	stream.linear.gather [hbm4b:s17+s2], $0x6400, $0x38;
	[tilespmem:$0xC800] =	vst v63  }
0xc6: {  	_ =	swait.ge [sflag:s6], $0x6400  }
0xc7: {  	[sflag:s6] =	ssyncset.done $0x0  }
0xc8: {  	[sflag:s6] =	ssyncadd.s32 $0xFFFF9C00  }
0xc9: {  	[hbm4b:s16+s2] =	stream.linear.scatter [tilespmem:s2], [sflag:$0x3], $0x6400, $0x38;
	[tilespmem:$0xC800] =	vst v63  }
0xca: {  	_ =	swait.ge [sflag:s7], $0x6400  }
0xcb: {  	[sflag:s7] =	ssyncset.done $0x0  }
0xcc: {  	[sflag:s7] =	ssyncadd.s32 $0xFFFF9C00  }
0xcd: {  	[tilespmem:s12], [sflag:$0x2] =	stream.linear.gather [hbm4b:s15+s2], $0x6400, $0x38;
	[tilespmem:$0xC800] =	vst v63  }
0xce: {  	_ =	swait.ge [sflag:s13], $0x6400  }
0xcf: {  	[sflag:s13] =	ssyncset.done $0x0  }
0xd0: {  	[sflag:s13] =	ssyncadd.s32 $0xFFFF9C00  }
0xd1: {  	[hbm4b:s14+s2] =	stream.linear.scatter [tilespmem:s12], [sflag:$0x4], $0x6400, $0x38;
	[tilespmem:$0xC800] =	vst v63  }
0xd2: {  	_ =	swait.ge [sflag:s5], $0x6400  }
0xd3: {  	[sflag:s5] =	ssyncset.done $0x0  }
0xd4: {  	[sflag:s5] =	ssyncadd.s32 $0xFFFF9C00  }
0xd5: {  	[tilespmem:s2], [sflag:$0x1] =	stream.linear.gather [hbm4b:s11+s2], $0x6400, $0x38;
	[tilespmem:$0xC800] =	vst v63  }
0xd6: {  	_ =	swait.ge [sflag:s6], $0x6400  }
0xd7: {  	[sflag:s6] =	ssyncset.done $0x0  }
0xd8: {  	[sflag:s6] =	ssyncadd.s32 $0xFFFF9C00  }
0xd9: {  	[hbm4b:s10+s2] =	stream.linear.scatter [tilespmem:s2], [sflag:$0x3], $0x6400, $0x38;
	[tilespmem:$0xC800] =	vst v63  }
0xda: {  	_ =	swait.ge [sflag:s7], $0x6400  }
0xdb: {  	[sflag:s7] =	ssyncset.done $0x0  }
0xdc: {  	[sflag:s7] =	ssyncadd.s32 $0xFFFF9C00  }
0xdd: {  	[tilespmem:s12], [sflag:$0x2] =	stream.linear.gather [hbm4b:s9+s2], $0x6400, $0x38;
	[tilespmem:$0xC800] =	vst v63  }
0xde: {  	_ =	swait.ge [sflag:s13], $0x6400  }
0xdf: {  	[sflag:s13] =	ssyncset.done $0x0  }
0xe0: {  	[sflag:s13] =	ssyncadd.s32 $0xFFFF9C00  }
0xe1: {  	[hbm4b:s8+s2] =	stream.linear.scatter [tilespmem:s12], [sflag:$0x4], $0x6400, $0x38;
	[tilespmem:$0xC800] =	vst v63  }
0xe2: {  	_ =	swait.ge [sflag:s5], $0x6400  }
0xe3: {  	[sflag:s5] =	ssyncset.done $0x0  }
0xe4: {  	[sflag:s5] =	ssyncadd.s32 $0xFFFF9C00  }
0xe5: {  	[tilespmem:s2], [sflag:$0x1] =	stream.linear.gather [hbm4b:s4+s2], $0x6400, $0x38;
	[tilespmem:$0xC800] =	vst v63  }
0xe6: {  	_ =	swait.ge [sflag:s6], $0x6400  }
0xe7: {  	[sflag:s6] =	ssyncset.done $0x0  }
0xe8: {  	[sflag:s6] =	ssyncadd.s32 $0xFFFF9C00  }
0xe9: {  	[hbm4b:s3+s2] =	stream.linear.scatter [tilespmem:s2], [sflag:$0x3], $0x6400, $0x38;
	[tilespmem:$0xC800] =	vst v63  }
0xea: {  	_ =	swait.ge [sflag:s7], $0x6400  }
0xeb: {  	s1 =	rddreg [dreg:$0x1d]  }
0xec: {  	p1 =	sne.s32 s1, $0x1  }
.Ltmp1:
0xed: {  	_ = 	snop;
	(pc) =	sbr.rel @!p1 .LBB2_3-.Ltmp1, $4  }
0xee: {  	[sflag:s7] =	ssyncset.done $0x0  }
0xef: {  	[sflag:s7] =	ssyncadd.s32 $0xFFFF9C00  }
0xf0: {  	p0 =	por $0x1, $0x1;
	_ =	swait.ge [sflag:s5], $0x6400  }
0xf1: {  	s1 =	sadd.s32 $0xFFFFFFFF, s1;
	s0 =	rddreg [dreg:$0x2];
	[sflag:s5] =	ssyncset.done $0x0  }
.LBB2_2:
0xf2: {  	[sflag:s5] =	ssyncadd.s32 $0xFFFF9C00;
	s7 =	simm.s32 $0x6400;
	s12 =	smov.u32 s31  }
0xf3: {  	s31 =	smov.u32 s30;
	s30 =	smov.u32 s29;
	s29 =	smov.u32 s28  }
0xf4: {  	s28 =	smov.u32 s26;
	s26 =	smov.u32 s25;
	s25 =	smov.u32 s24  }
0xf5: {  	s24 =	smov.u32 s23;
	s23 =	smov.u32 s22;
	s22 =	smov.u32 s21  }
0xf6: {  	s21 =	smov.u32 s20;
	s20 =	smov.u32 s19;
	s19 =	smov.u32 s18  }
0xf7: {  	s18 =	smov.u32 s17;
	s17 =	smov.u32 s16;
	s16 =	smov.u32 s15  }
0xf8: {  	[tilespmem:s2], [sflag:$0x1] =	stream.linear.gather [hbm4b:s0+s2], $0x6400, $0x38;
	[tilespmem:$0xC800] =	vst v63  }
0xf9: {  	s15 =	smov.u32 s14;
	s14 =	smov.u32 s11;
	_ =	swait.ge [sflag:s6], $0x6400  }
0xfa: {  	s11 =	smov.u32 s10;
	s10 =	smov.u32 s9;
	[sflag:s6] =	ssyncset.done $0x0  }
0xfb: {  	s9 =	smov.u32 s8;
	s0 =	rddreg [dreg:$0x3];
	[sflag:s6] =	ssyncadd.s32 $0xFFFF9C00  }
0xfc: {  	[hbm4b:s0+s2] =	stream.linear.scatter [tilespmem:s2], [sflag:$0x3], $0x6400, $0x38;
	[tilespmem:$0xC800] =	vst v63  }
0xfd: {  	s8 =	smov.u32 s4;
	s4 =	smov.u32 s3;
	s3 =	rddreg [dreg:$0x4]  }
0xfe: {  	[tilespmem:s7], [sflag:$0x2] =	stream.linear.gather [hbm4b:s3+s2], $0x6400, $0x38;
	[tilespmem:$0xC800] =	vst v63  }
0xff: {  	s3 =	smov.u32 s4  }
0x100: {  	s4 =	smov.u32 s8;
	s8 =	smov.u32 s9;
	s9 =	smov.u32 s10  }
0x101: {  	s10 =	smov.u32 s11;
	s11 =	smov.u32 s14;
	s14 =	smov.u32 s15  }
0x102: {  	s15 =	smov.u32 s16;
	s16 =	smov.u32 s17;
	s17 =	smov.u32 s18  }
0x103: {  	s18 =	smov.u32 s19;
	s19 =	smov.u32 s20;
	s20 =	smov.u32 s21  }
0x104: {  	s21 =	smov.u32 s22;
	s22 =	smov.u32 s23;
	s23 =	smov.u32 s24  }
0x105: {  	s24 =	smov.u32 s25;
	s25 =	smov.u32 s26;
	s26 =	smov.u32 s28  }
0x106: {  	s28 =	smov.u32 s29;
	s29 =	smov.u32 s30;
	_ =	swait.ge [sflag:s13], $0x6400  }
0x107: {  	s30 =	smov.u32 s31;
	s31 =	smov.u32 s12;
	[sflag:s13] =	ssyncset.done $0x0  }
0x108: {  	s12 =	simm.s32 $0x6400;
	s0 =	rddreg [dreg:$0x5];
	[sflag:s13] =	ssyncadd.s32 $0xFFFF9C00  }
0x109: {  	[hbm4b:s0+s2] =	stream.linear.scatter [tilespmem:s12], [sflag:$0x4], $0x6400, $0x38;
	[tilespmem:$0xC800] =	vst v63  }
0x10a: {  	_ =	swait.ge [sflag:s5], $0x6400  }
0x10b: {  	[sflag:s5] =	ssyncset.done $0x0  }
0x10c: {  	s0 =	rddreg [dreg:$0x6];
	[sflag:s5] =	ssyncadd.s32 $0xFFFF9C00  }
0x10d: {  	[tilespmem:s2], [sflag:$0x1] =	stream.linear.gather [hbm4b:s0+s2], $0x6400, $0x38;
	[tilespmem:$0xC800] =	vst v63  }
0x10e: {  	_ =	swait.ge [sflag:s6], $0x6400  }
0x10f: {  	[sflag:s6] =	ssyncset.done $0x0  }
0x110: {  	s7 =	simm.s32 $0x4;
	s0 =	rddreg [dreg:$0x7];
	[sflag:s6] =	ssyncadd.s32 $0xFFFF9C00  }
0x111: {  	[hbm4b:s0+s2] =	stream.linear.scatter [tilespmem:s2], [sflag:$0x3], $0x6400, $0x38;
	[tilespmem:$0xC800] =	vst v63  }
0x112: {  	_ =	swait.ge [sflag:s7], $0x6400  }
0x113: {  	[sflag:s7] =	ssyncset.done $0x0  }
0x114: {  	s0 =	rddreg [dreg:$0x8];
	[sflag:s7] =	ssyncadd.s32 $0xFFFF9C00  }
0x115: {  	[tilespmem:s12], [sflag:$0x2] =	stream.linear.gather [hbm4b:s0+s2], $0x6400, $0x38;
	[tilespmem:$0xC800] =	vst v63  }
0x116: {  	_ =	swait.ge [sflag:s13], $0x6400  }
0x117: {  	[sflag:s13] =	ssyncset.done $0x0  }
0x118: {  	s0 =	rddreg [dreg:$0x9];
	[sflag:s13] =	ssyncadd.s32 $0xFFFF9C00  }
0x119: {  	[hbm4b:s0+s2] =	stream.linear.scatter [tilespmem:s12], [sflag:$0x4], $0x6400, $0x38;
	[tilespmem:$0xC800] =	vst v63  }
0x11a: {  	_ =	swait.ge [sflag:s5], $0x6400  }
0x11b: {  	[sflag:s5] =	ssyncset.done $0x0  }
0x11c: {  	s0 =	rddreg [dreg:$0xa];
	[sflag:s5] =	ssyncadd.s32 $0xFFFF9C00  }
0x11d: {  	[tilespmem:s2], [sflag:$0x1] =	stream.linear.gather [hbm4b:s0+s2], $0x6400, $0x38;
	[tilespmem:$0xC800] =	vst v63  }
0x11e: {  	_ =	swait.ge [sflag:s6], $0x6400  }
0x11f: {  	[sflag:s6] =	ssyncset.done $0x0  }
0x120: {  	s0 =	rddreg [dreg:$0xb];
	[sflag:s6] =	ssyncadd.s32 $0xFFFF9C00  }
0x121: {  	[hbm4b:s0+s2] =	stream.linear.scatter [tilespmem:s2], [sflag:$0x3], $0x6400, $0x38;
	[tilespmem:$0xC800] =	vst v63  }
0x122: {  	_ =	swait.ge [sflag:s7], $0x6400  }
0x123: {  	[sflag:s7] =	ssyncset.done $0x0  }
0x124: {  	s0 =	rddreg [dreg:$0xc];
	[sflag:s7] =	ssyncadd.s32 $0xFFFF9C00  }
0x125: {  	[tilespmem:s12], [sflag:$0x2] =	stream.linear.gather [hbm4b:s0+s2], $0x6400, $0x38;
	[tilespmem:$0xC800] =	vst v63  }
0x126: {  	_ =	swait.ge [sflag:s13], $0x6400  }
0x127: {  	[sflag:s13] =	ssyncset.done $0x0  }
0x128: {  	s0 =	rddreg [dreg:$0xd];
	[sflag:s13] =	ssyncadd.s32 $0xFFFF9C00  }
0x129: {  	[hbm4b:s0+s2] =	stream.linear.scatter [tilespmem:s12], [sflag:$0x4], $0x6400, $0x38;
	[tilespmem:$0xC800] =	vst v63  }
0x12a: {  	_ =	swait.ge [sflag:s5], $0x6400  }
0x12b: {  	[sflag:s5] =	ssyncset.done $0x0  }
0x12c: {  	s0 =	rddreg [dreg:$0xe];
	[sflag:s5] =	ssyncadd.s32 $0xFFFF9C00  }
0x12d: {  	[tilespmem:s2], [sflag:$0x1] =	stream.linear.gather [hbm4b:s0+s2], $0x6400, $0x38;
	[tilespmem:$0xC800] =	vst v63  }
0x12e: {  	_ =	swait.ge [sflag:s6], $0x6400  }
0x12f: {  	[sflag:s6] =	ssyncset.done $0x0  }
0x130: {  	s0 =	rddreg [dreg:$0xf];
	[sflag:s6] =	ssyncadd.s32 $0xFFFF9C00  }
0x131: {  	[hbm4b:s0+s2] =	stream.linear.scatter [tilespmem:s2], [sflag:$0x3], $0x6400, $0x38;
	[tilespmem:$0xC800] =	vst v63  }
0x132: {  	_ =	swait.ge [sflag:s7], $0x6400  }
0x133: {  	[sflag:s7] =	ssyncset.done $0x0  }
0x134: {  	s0 =	rddreg [dreg:$0x10];
	[sflag:s7] =	ssyncadd.s32 $0xFFFF9C00  }
0x135: {  	[tilespmem:s12], [sflag:$0x2] =	stream.linear.gather [hbm4b:s0+s2], $0x6400, $0x38;
	[tilespmem:$0xC800] =	vst v63  }
0x136: {  	_ =	swait.ge [sflag:s13], $0x6400  }
0x137: {  	[sflag:s13] =	ssyncset.done $0x0  }
0x138: {  	s0 =	rddreg [dreg:$0x11];
	[sflag:s13] =	ssyncadd.s32 $0xFFFF9C00  }
0x139: {  	[hbm4b:s0+s2] =	stream.linear.scatter [tilespmem:s12], [sflag:$0x4], $0x6400, $0x38;
	[tilespmem:$0xC800] =	vst v63  }
0x13a: {  	_ =	swait.ge [sflag:s5], $0x6400  }
0x13b: {  	[sflag:s5] =	ssyncset.done $0x0  }
0x13c: {  	s0 =	rddreg [dreg:$0x12];
	[sflag:s5] =	ssyncadd.s32 $0xFFFF9C00  }
0x13d: {  	[tilespmem:s2], [sflag:$0x1] =	stream.linear.gather [hbm4b:s0+s2], $0x6400, $0x38;
	[tilespmem:$0xC800] =	vst v63  }
0x13e: {  	_ =	swait.ge [sflag:s6], $0x6400  }
0x13f: {  	[sflag:s6] =	ssyncset.done $0x0  }
0x140: {  	s0 =	rddreg [dreg:$0x13];
	[sflag:s6] =	ssyncadd.s32 $0xFFFF9C00  }
0x141: {  	[hbm4b:s0+s2] =	stream.linear.scatter [tilespmem:s2], [sflag:$0x3], $0x6400, $0x38;
	[tilespmem:$0xC800] =	vst v63  }
0x142: {  	_ =	swait.ge [sflag:s7], $0x6400  }
0x143: {  	[sflag:s7] =	ssyncset.done $0x0  }
0x144: {  	s0 =	rddreg [dreg:$0x14];
	[sflag:s7] =	ssyncadd.s32 $0xFFFF9C00  }
0x145: {  	[tilespmem:s12], [sflag:$0x2] =	stream.linear.gather [hbm4b:s0+s2], $0x6400, $0x38;
	[tilespmem:$0xC800] =	vst v63  }
0x146: {  	_ =	swait.ge [sflag:s13], $0x6400  }
0x147: {  	[sflag:s13] =	ssyncset.done $0x0  }
0x148: {  	s0 =	rddreg [dreg:$0x15];
	[sflag:s13] =	ssyncadd.s32 $0xFFFF9C00  }
0x149: {  	[hbm4b:s0+s2] =	stream.linear.scatter [tilespmem:s12], [sflag:$0x4], $0x6400, $0x38;
	[tilespmem:$0xC800] =	vst v63  }
0x14a: {  	_ =	swait.ge [sflag:s5], $0x6400  }
0x14b: {  	[sflag:s5] =	ssyncset.done $0x0  }
0x14c: {  	s0 =	rddreg [dreg:$0x16];
	[sflag:s5] =	ssyncadd.s32 $0xFFFF9C00  }
0x14d: {  	[tilespmem:s2], [sflag:$0x1] =	stream.linear.gather [hbm4b:s0+s2], $0x6400, $0x38;
	[tilespmem:$0xC800] =	vst v63  }
0x14e: {  	_ =	swait.ge [sflag:s6], $0x6400  }
0x14f: {  	[sflag:s6] =	ssyncset.done $0x0  }
0x150: {  	s0 =	rddreg [dreg:$0x17];
	[sflag:s6] =	ssyncadd.s32 $0xFFFF9C00  }
0x151: {  	[hbm4b:s0+s2] =	stream.linear.scatter [tilespmem:s2], [sflag:$0x3], $0x6400, $0x38;
	[tilespmem:$0xC800] =	vst v63  }
0x152: {  	_ =	swait.ge [sflag:s7], $0x6400  }
0x153: {  	[sflag:s7] =	ssyncset.done $0x0  }
0x154: {  	s0 =	rddreg [dreg:$0x18];
	[sflag:s7] =	ssyncadd.s32 $0xFFFF9C00  }
0x155: {  	[tilespmem:s12], [sflag:$0x2] =	stream.linear.gather [hbm4b:s0+s2], $0x6400, $0x38;
	[tilespmem:$0xC800] =	vst v63  }
0x156: {  	_ =	swait.ge [sflag:s13], $0x6400  }
0x157: {  	[sflag:s13] =	ssyncset.done $0x0  }
0x158: {  	s0 =	rddreg [dreg:$0x19];
	[sflag:s13] =	ssyncadd.s32 $0xFFFF9C00  }
0x159: {  	[hbm4b:s0+s2] =	stream.linear.scatter [tilespmem:s12], [sflag:$0x4], $0x6400, $0x38;
	[tilespmem:$0xC800] =	vst v63  }
0x15a: {  	_ =	swait.ge [sflag:s5], $0x6400  }
0x15b: {  	[sflag:s5] =	ssyncset.done $0x0  }
0x15c: {  	s0 =	rddreg [dreg:$0x1a];
	[sflag:s5] =	ssyncadd.s32 $0xFFFF9C00  }
0x15d: {  	[tilespmem:s2], [sflag:$0x1] =	stream.linear.gather [hbm4b:s0+s2], $0x6400, $0x38;
	[tilespmem:$0xC800] =	vst v63  }
0x15e: {  	_ =	swait.ge [sflag:s6], $0x6400  }
0x15f: {  	[sflag:s6] =	ssyncset.done $0x0  }
0x160: {  	s0 =	rddreg [dreg:$0x1b];
	[sflag:s6] =	ssyncadd.s32 $0xFFFF9C00  }
0x161: {  	[hbm4b:s0+s2] =	stream.linear.scatter [tilespmem:s2], [sflag:$0x3], $0x6400, $0x38;
	[tilespmem:$0xC800] =	vst v63  }
0x162: {  	_ =	swait.ge [sflag:s7], $0x6400  }
0x163: {  	[sflag:s7] =	ssyncset.done $0x0  }
0x164: {  	s0 =	rddreg [dreg:$0x1c];
	[sflag:s7] =	ssyncadd.s32 $0xFFFF9C00  }
0x165: {  	[tilespmem:s12], [sflag:$0x2] =	stream.linear.gather [hbm4b:s0+s2], $0x6400, $0x38;
	[tilespmem:$0xC800] =	vst v63  }
0x166: {  	_ =	swait.ge [sflag:s13], $0x6400  }
0x167: {  	[sflag:s13] =	ssyncset.done $0x0  }
0x168: {  	[sflag:s13] =	ssyncadd.s32 $0xFFFF9C00  }
0x169: {  	[hbm4b:s31+s2] =	stream.linear.scatter [tilespmem:s12], [sflag:$0x4], $0x6400, $0x38;
	[tilespmem:$0xC800] =	vst v63  }
0x16a: {  	_ =	swait.ge [sflag:s5], $0x6400  }
0x16b: {  	[sflag:s5] =	ssyncset.done $0x0  }
0x16c: {  	[sflag:s5] =	ssyncadd.s32 $0xFFFF9C00  }
0x16d: {  	[tilespmem:s2], [sflag:$0x1] =	stream.linear.gather [hbm4b:s30+s2], $0x6400, $0x38;
	[tilespmem:$0xC800] =	vst v63  }
0x16e: {  	_ =	swait.ge [sflag:s6], $0x6400  }
0x16f: {  	[sflag:s6] =	ssyncset.done $0x0  }
0x170: {  	[sflag:s6] =	ssyncadd.s32 $0xFFFF9C00  }
0x171: {  	[hbm4b:s29+s2] =	stream.linear.scatter [tilespmem:s2], [sflag:$0x3], $0x6400, $0x38;
	[tilespmem:$0xC800] =	vst v63  }
0x172: {  	_ =	swait.ge [sflag:s7], $0x6400  }
0x173: {  	[sflag:s7] =	ssyncset.done $0x0  }
0x174: {  	[sflag:s7] =	ssyncadd.s32 $0xFFFF9C00  }
0x175: {  	[tilespmem:s12], [sflag:$0x2] =	stream.linear.gather [hbm4b:s28+s2], $0x6400, $0x38;
	[tilespmem:$0xC800] =	vst v63  }
0x176: {  	_ =	swait.ge [sflag:s13], $0x6400  }
0x177: {  	[sflag:s13] =	ssyncset.done $0x0  }
0x178: {  	[sflag:s13] =	ssyncadd.s32 $0xFFFF9C00  }
0x179: {  	[hbm4b:s26+s2] =	stream.linear.scatter [tilespmem:s12], [sflag:$0x4], $0x6400, $0x38;
	[tilespmem:$0xC800] =	vst v63  }
0x17a: {  	_ =	swait.ge [sflag:s5], $0x6400  }
0x17b: {  	[sflag:s5] =	ssyncset.done $0x0  }
0x17c: {  	[sflag:s5] =	ssyncadd.s32 $0xFFFF9C00  }
0x17d: {  	[tilespmem:s2], [sflag:$0x1] =	stream.linear.gather [hbm4b:s25+s2], $0x6400, $0x38;
	[tilespmem:$0xC800] =	vst v63  }
0x17e: {  	_ =	swait.ge [sflag:s6], $0x6400  }
0x17f: {  	[sflag:s6] =	ssyncset.done $0x0  }
0x180: {  	[sflag:s6] =	ssyncadd.s32 $0xFFFF9C00  }
0x181: {  	[hbm4b:s24+s2] =	stream.linear.scatter [tilespmem:s2], [sflag:$0x3], $0x6400, $0x38;
	[tilespmem:$0xC800] =	vst v63  }
0x182: {  	_ =	swait.ge [sflag:s7], $0x6400  }
0x183: {  	[sflag:s7] =	ssyncset.done $0x0  }
0x184: {  	[sflag:s7] =	ssyncadd.s32 $0xFFFF9C00  }
0x185: {  	[tilespmem:s12], [sflag:$0x2] =	stream.linear.gather [hbm4b:s23+s2], $0x6400, $0x38;
	[tilespmem:$0xC800] =	vst v63  }
0x186: {  	_ =	swait.ge [sflag:s13], $0x6400  }
0x187: {  	[sflag:s13] =	ssyncset.done $0x0  }
0x188: {  	[sflag:s13] =	ssyncadd.s32 $0xFFFF9C00  }
0x189: {  	[hbm4b:s22+s2] =	stream.linear.scatter [tilespmem:s12], [sflag:$0x4], $0x6400, $0x38;
	[tilespmem:$0xC800] =	vst v63  }
0x18a: {  	_ =	swait.ge [sflag:s5], $0x6400  }
0x18b: {  	[sflag:s5] =	ssyncset.done $0x0  }
0x18c: {  	[sflag:s5] =	ssyncadd.s32 $0xFFFF9C00  }
0x18d: {  	[tilespmem:s2], [sflag:$0x1] =	stream.linear.gather [hbm4b:s21+s2], $0x6400, $0x38;
	[tilespmem:$0xC800] =	vst v63  }
0x18e: {  	_ =	swait.ge [sflag:s6], $0x6400  }
0x18f: {  	[sflag:s6] =	ssyncset.done $0x0  }
0x190: {  	[sflag:s6] =	ssyncadd.s32 $0xFFFF9C00  }
0x191: {  	[hbm4b:s20+s2] =	stream.linear.scatter [tilespmem:s2], [sflag:$0x3], $0x6400, $0x38;
	[tilespmem:$0xC800] =	vst v63  }
0x192: {  	_ =	swait.ge [sflag:s7], $0x6400  }
0x193: {  	[sflag:s7] =	ssyncset.done $0x0  }
0x194: {  	[sflag:s7] =	ssyncadd.s32 $0xFFFF9C00  }
0x195: {  	[tilespmem:s12], [sflag:$0x2] =	stream.linear.gather [hbm4b:s19+s2], $0x6400, $0x38;
	[tilespmem:$0xC800] =	vst v63  }
0x196: {  	_ =	swait.ge [sflag:s13], $0x6400  }
0x197: {  	[sflag:s13] =	ssyncset.done $0x0  }
0x198: {  	[sflag:s13] =	ssyncadd.s32 $0xFFFF9C00  }
0x199: {  	[hbm4b:s18+s2] =	stream.linear.scatter [tilespmem:s12], [sflag:$0x4], $0x6400, $0x38;
	[tilespmem:$0xC800] =	vst v63  }
0x19a: {  	_ =	swait.ge [sflag:s5], $0x6400  }
0x19b: {  	[sflag:s5] =	ssyncset.done $0x0  }
0x19c: {  	[sflag:s5] =	ssyncadd.s32 $0xFFFF9C00  }
0x19d: {  	[tilespmem:s2], [sflag:$0x1] =	stream.linear.gather [hbm4b:s17+s2], $0x6400, $0x38;
	[tilespmem:$0xC800] =	vst v63  }
0x19e: {  	_ =	swait.ge [sflag:s6], $0x6400  }
0x19f: {  	[sflag:s6] =	ssyncset.done $0x0  }
0x1a0: {  	[sflag:s6] =	ssyncadd.s32 $0xFFFF9C00  }
0x1a1: {  	[hbm4b:s16+s2] =	stream.linear.scatter [tilespmem:s2], [sflag:$0x3], $0x6400, $0x38;
	[tilespmem:$0xC800] =	vst v63  }
0x1a2: {  	_ =	swait.ge [sflag:s7], $0x6400  }
0x1a3: {  	[sflag:s7] =	ssyncset.done $0x0  }
0x1a4: {  	[sflag:s7] =	ssyncadd.s32 $0xFFFF9C00  }
0x1a5: {  	[tilespmem:s12], [sflag:$0x2] =	stream.linear.gather [hbm4b:s15+s2], $0x6400, $0x38;
	[tilespmem:$0xC800] =	vst v63  }
0x1a6: {  	_ =	swait.ge [sflag:s13], $0x6400  }
0x1a7: {  	[sflag:s13] =	ssyncset.done $0x0  }
0x1a8: {  	[sflag:s13] =	ssyncadd.s32 $0xFFFF9C00  }
0x1a9: {  	[hbm4b:s14+s2] =	stream.linear.scatter [tilespmem:s12], [sflag:$0x4], $0x6400, $0x38;
	[tilespmem:$0xC800] =	vst v63  }
0x1aa: {  	_ =	swait.ge [sflag:s5], $0x6400  }
0x1ab: {  	[sflag:s5] =	ssyncset.done $0x0  }
0x1ac: {  	[sflag:s5] =	ssyncadd.s32 $0xFFFF9C00  }
0x1ad: {  	[tilespmem:s2], [sflag:$0x1] =	stream.linear.gather [hbm4b:s11+s2], $0x6400, $0x38;
	[tilespmem:$0xC800] =	vst v63  }
0x1ae: {  	_ =	swait.ge [sflag:s6], $0x6400  }
0x1af: {  	[sflag:s6] =	ssyncset.done $0x0  }
0x1b0: {  	[sflag:s6] =	ssyncadd.s32 $0xFFFF9C00  }
0x1b1: {  	[hbm4b:s10+s2] =	stream.linear.scatter [tilespmem:s2], [sflag:$0x3], $0x6400, $0x38;
	[tilespmem:$0xC800] =	vst v63  }
0x1b2: {  	_ =	swait.ge [sflag:s7], $0x6400  }
0x1b3: {  	[sflag:s7] =	ssyncset.done $0x0  }
0x1b4: {  	[sflag:s7] =	ssyncadd.s32 $0xFFFF9C00  }
0x1b5: {  	[tilespmem:s12], [sflag:$0x2] =	stream.linear.gather [hbm4b:s9+s2], $0x6400, $0x38;
	[tilespmem:$0xC800] =	vst v63  }
0x1b6: {  	_ =	swait.ge [sflag:s13], $0x6400  }
0x1b7: {  	[sflag:s13] =	ssyncset.done $0x0  }
0x1b8: {  	[sflag:s13] =	ssyncadd.s32 $0xFFFF9C00  }
0x1b9: {  	[hbm4b:s8+s2] =	stream.linear.scatter [tilespmem:s12], [sflag:$0x4], $0x6400, $0x38;
	[tilespmem:$0xC800] =	vst v63  }
0x1ba: {  	_ =	swait.ge [sflag:s5], $0x6400  }
0x1bb: {  	[sflag:s5] =	ssyncset.done $0x0  }
0x1bc: {  	[sflag:s5] =	ssyncadd.s32 $0xFFFF9C00  }
0x1bd: {  	[tilespmem:s2], [sflag:$0x1] =	stream.linear.gather [hbm4b:s4+s2], $0x6400, $0x38;
	[tilespmem:$0xC800] =	vst v63  }
0x1be: {  	_ =	swait.ge [sflag:s6], $0x6400  }
0x1bf: {  	[sflag:s6] =	ssyncset.done $0x0  }
0x1c0: {  	p1 =	sne.s32 s1, $0x1;
	[sflag:s6] =	ssyncadd.s32 $0xFFFF9C00  }
0x1c1: {  	[hbm4b:s3+s2] =	stream.linear.scatter [tilespmem:s2], [sflag:$0x3], $0x6400, $0x38;
	[tilespmem:$0xC800] =	vst v63  }
.Ltmp2:
0x1c2: {  	_ =	swait.ge [sflag:s7], $0x6400;
	(pc) =	sbr.rel @p1 .LBB2_2-.Ltmp2, $4  }
0x1c3: {  	[sflag:s7] =	ssyncset.done $0x0  }
0x1c4: {  	[sflag:s7] =	ssyncadd.s32 $0xFFFF9C00  }
0x1c5: {  	_ =	swait.ge [sflag:s5], $0x6400  }
0x1c6: {  	s1 =	sadd.s32 $0xFFFFFFFF, s1;
	s0 =	rddreg [dreg:$0x2];
	[sflag:s5] =	ssyncset.done $0x0  }
.LBB2_3:
0x1c7: {  	[sflag:s5] =	ssyncadd.s32 @p0 $0xFFFF9C00  }
0x1c8: {  	[tilespmem:s2], [sflag:$0x1] =	stream.linear.gather [hbm4b:s0+s2], $0x6400, $0x38;
	[tilespmem:$0xC800] =	vst v63  }
0x1c9: {  	_ =	swait.ge [sflag:s6], $0x6400  }
0x1ca: {  	[sflag:s6] =	ssyncset.done $0x0  }
0x1cb: {  	s0 =	rddreg [dreg:$0x3];
	[sflag:s6] =	ssyncadd.s32 $0xFFFF9C00  }
0x1cc: {  	[hbm4b:s0+s2] =	stream.linear.scatter [tilespmem:s2], [sflag:$0x3], $0x6400, $0x38;
	[tilespmem:$0xC800] =	vst v63  }
0x1cd: {  	s1 =	rddreg [dreg:$0x4]  }
0x1ce: {  	[tilespmem:s12], [sflag:$0x2] =	stream.linear.gather [hbm4b:s1+s2], $0x6400, $0x38;
	[tilespmem:$0xC800] =	vst v63  }
0x1cf: {  	_ =	swait.ge [sflag:s13], $0x6400  }
0x1d0: {  	[sflag:s13] =	ssyncset.done $0x0  }
0x1d1: {  	s1 =	rddreg [dreg:$0x5];
	[sflag:s13] =	ssyncadd.s32 $0xFFFF9C00  }
0x1d2: {  	[hbm4b:s1+s2] =	stream.linear.scatter [tilespmem:s12], [sflag:$0x4], $0x6400, $0x38;
	[tilespmem:$0xC800] =	vst v63  }
0x1d3: {  	_ =	swait.ge [sflag:s5], $0x6400  }
0x1d4: {  	[sflag:s5] =	ssyncset.done $0x0  }
0x1d5: {  	s1 =	rddreg [dreg:$0x6];
	[sflag:s5] =	ssyncadd.s32 $0xFFFF9C00  }
0x1d6: {  	[tilespmem:s2], [sflag:$0x1] =	stream.linear.gather [hbm4b:s1+s2], $0x6400, $0x38;
	[tilespmem:$0xC800] =	vst v63  }
0x1d7: {  	_ =	swait.ge [sflag:s6], $0x6400  }
0x1d8: {  	[sflag:s6] =	ssyncset.done $0x0  }
0x1d9: {  	s1 =	rddreg [dreg:$0x7];
	[sflag:s6] =	ssyncadd.s32 $0xFFFF9C00  }
0x1da: {  	[hbm4b:s1+s2] =	stream.linear.scatter [tilespmem:s2], [sflag:$0x3], $0x6400, $0x38;
	[tilespmem:$0xC800] =	vst v63  }
0x1db: {  	_ =	swait.ge [sflag:s7], $0x6400  }
0x1dc: {  	[sflag:s7] =	ssyncset.done $0x0  }
0x1dd: {  	s1 =	rddreg [dreg:$0x8];
	[sflag:s7] =	ssyncadd.s32 $0xFFFF9C00  }
0x1de: {  	[tilespmem:s12], [sflag:$0x2] =	stream.linear.gather [hbm4b:s1+s2], $0x6400, $0x38;
	[tilespmem:$0xC800] =	vst v63  }
0x1df: {  	_ =	swait.ge [sflag:s13], $0x6400  }
0x1e0: {  	[sflag:s13] =	ssyncset.done $0x0  }
0x1e1: {  	s1 =	rddreg [dreg:$0x9];
	[sflag:s13] =	ssyncadd.s32 $0xFFFF9C00  }
0x1e2: {  	[hbm4b:s1+s2] =	stream.linear.scatter [tilespmem:s12], [sflag:$0x4], $0x6400, $0x38;
	[tilespmem:$0xC800] =	vst v63  }
0x1e3: {  	_ =	swait.ge [sflag:s5], $0x6400  }
0x1e4: {  	[sflag:s5] =	ssyncset.done $0x0  }
0x1e5: {  	s1 =	rddreg [dreg:$0xa];
	[sflag:s5] =	ssyncadd.s32 $0xFFFF9C00  }
0x1e6: {  	[tilespmem:s2], [sflag:$0x1] =	stream.linear.gather [hbm4b:s1+s2], $0x6400, $0x38;
	[tilespmem:$0xC800] =	vst v63  }
0x1e7: {  	_ =	swait.ge [sflag:s6], $0x6400  }
0x1e8: {  	[sflag:s6] =	ssyncset.done $0x0  }
0x1e9: {  	s1 =	rddreg [dreg:$0xb];
	[sflag:s6] =	ssyncadd.s32 $0xFFFF9C00  }
0x1ea: {  	[hbm4b:s1+s2] =	stream.linear.scatter [tilespmem:s2], [sflag:$0x3], $0x6400, $0x38;
	[tilespmem:$0xC800] =	vst v63  }
0x1eb: {  	_ =	swait.ge [sflag:s7], $0x6400  }
0x1ec: {  	[sflag:s7] =	ssyncset.done $0x0  }
0x1ed: {  	s1 =	rddreg [dreg:$0xc];
	[sflag:s7] =	ssyncadd.s32 $0xFFFF9C00  }
0x1ee: {  	[tilespmem:s12], [sflag:$0x2] =	stream.linear.gather [hbm4b:s1+s2], $0x6400, $0x38;
	[tilespmem:$0xC800] =	vst v63  }
0x1ef: {  	_ =	swait.ge [sflag:s13], $0x6400  }
0x1f0: {  	[sflag:s13] =	ssyncset.done $0x0  }
0x1f1: {  	s1 =	rddreg [dreg:$0xd];
	[sflag:s13] =	ssyncadd.s32 $0xFFFF9C00  }
0x1f2: {  	[hbm4b:s1+s2] =	stream.linear.scatter [tilespmem:s12], [sflag:$0x4], $0x6400, $0x38;
	[tilespmem:$0xC800] =	vst v63  }
0x1f3: {  	_ =	swait.ge [sflag:s5], $0x6400  }
0x1f4: {  	[sflag:s5] =	ssyncset.done $0x0  }
0x1f5: {  	s1 =	rddreg [dreg:$0xe];
	[sflag:s5] =	ssyncadd.s32 $0xFFFF9C00  }
0x1f6: {  	[tilespmem:s2], [sflag:$0x1] =	stream.linear.gather [hbm4b:s1+s2], $0x6400, $0x38;
	[tilespmem:$0xC800] =	vst v63  }
0x1f7: {  	_ =	swait.ge [sflag:s6], $0x6400  }
0x1f8: {  	[sflag:s6] =	ssyncset.done $0x0  }
0x1f9: {  	s1 =	rddreg [dreg:$0xf];
	[sflag:s6] =	ssyncadd.s32 $0xFFFF9C00  }
0x1fa: {  	[hbm4b:s1+s2] =	stream.linear.scatter [tilespmem:s2], [sflag:$0x3], $0x6400, $0x38;
	[tilespmem:$0xC800] =	vst v63  }
0x1fb: {  	_ =	swait.ge [sflag:s7], $0x6400  }
0x1fc: {  	[sflag:s7] =	ssyncset.done $0x0  }
0x1fd: {  	s1 =	rddreg [dreg:$0x10];
	[sflag:s7] =	ssyncadd.s32 $0xFFFF9C00  }
0x1fe: {  	[tilespmem:s12], [sflag:$0x2] =	stream.linear.gather [hbm4b:s1+s2], $0x6400, $0x38;
	[tilespmem:$0xC800] =	vst v63  }
0x1ff: {  	_ =	swait.ge [sflag:s13], $0x6400  }
0x200: {  	[sflag:s13] =	ssyncset.done $0x0  }
0x201: {  	s1 =	rddreg [dreg:$0x11];
	[sflag:s13] =	ssyncadd.s32 $0xFFFF9C00  }
0x202: {  	[hbm4b:s1+s2] =	stream.linear.scatter [tilespmem:s12], [sflag:$0x4], $0x6400, $0x38;
	[tilespmem:$0xC800] =	vst v63  }
0x203: {  	_ =	swait.ge [sflag:s5], $0x6400  }
0x204: {  	[sflag:s5] =	ssyncset.done $0x0  }
0x205: {  	s1 =	rddreg [dreg:$0x12];
	[sflag:s5] =	ssyncadd.s32 $0xFFFF9C00  }
0x206: {  	[tilespmem:s2], [sflag:$0x1] =	stream.linear.gather [hbm4b:s1+s2], $0x6400, $0x38;
	[tilespmem:$0xC800] =	vst v63  }
0x207: {  	_ =	swait.ge [sflag:s6], $0x6400  }
0x208: {  	[sflag:s6] =	ssyncset.done $0x0  }
0x209: {  	s1 =	rddreg [dreg:$0x13];
	[sflag:s6] =	ssyncadd.s32 $0xFFFF9C00  }
0x20a: {  	[hbm4b:s1+s2] =	stream.linear.scatter [tilespmem:s2], [sflag:$0x3], $0x6400, $0x38;
	[tilespmem:$0xC800] =	vst v63  }
0x20b: {  	_ =	swait.ge [sflag:s7], $0x6400  }
0x20c: {  	[sflag:s7] =	ssyncset.done $0x0  }
0x20d: {  	s1 =	rddreg [dreg:$0x14];
	[sflag:s7] =	ssyncadd.s32 $0xFFFF9C00  }
0x20e: {  	[tilespmem:s12], [sflag:$0x2] =	stream.linear.gather [hbm4b:s1+s2], $0x6400, $0x38;
	[tilespmem:$0xC800] =	vst v63  }
0x20f: {  	_ =	swait.ge [sflag:s13], $0x6400  }
0x210: {  	[sflag:s13] =	ssyncset.done $0x0  }
0x211: {  	s1 =	rddreg [dreg:$0x15];
	[sflag:s13] =	ssyncadd.s32 $0xFFFF9C00  }
0x212: {  	[hbm4b:s1+s2] =	stream.linear.scatter [tilespmem:s12], [sflag:$0x4], $0x6400, $0x38;
	[tilespmem:$0xC800] =	vst v63  }
0x213: {  	_ =	swait.ge [sflag:s5], $0x6400  }
0x214: {  	[sflag:s5] =	ssyncset.done $0x0  }
0x215: {  	s1 =	rddreg [dreg:$0x16];
	[sflag:s5] =	ssyncadd.s32 $0xFFFF9C00  }
0x216: {  	[tilespmem:s2], [sflag:$0x1] =	stream.linear.gather [hbm4b:s1+s2], $0x6400, $0x38;
	[tilespmem:$0xC800] =	vst v63  }
0x217: {  	_ =	swait.ge [sflag:s6], $0x6400  }
0x218: {  	[sflag:s6] =	ssyncset.done $0x0  }
0x219: {  	s1 =	rddreg [dreg:$0x17];
	[sflag:s6] =	ssyncadd.s32 $0xFFFF9C00  }
0x21a: {  	[hbm4b:s1+s2] =	stream.linear.scatter [tilespmem:s2], [sflag:$0x3], $0x6400, $0x38;
	[tilespmem:$0xC800] =	vst v63  }
0x21b: {  	_ =	swait.ge [sflag:s7], $0x6400  }
0x21c: {  	[sflag:s7] =	ssyncset.done $0x0  }
0x21d: {  	s1 =	rddreg [dreg:$0x18];
	[sflag:s7] =	ssyncadd.s32 $0xFFFF9C00  }
0x21e: {  	[tilespmem:s12], [sflag:$0x2] =	stream.linear.gather [hbm4b:s1+s2], $0x6400, $0x38;
	[tilespmem:$0xC800] =	vst v63  }
0x21f: {  	_ =	swait.ge [sflag:s13], $0x6400  }
0x220: {  	[sflag:s13] =	ssyncset.done $0x0  }
0x221: {  	s1 =	rddreg [dreg:$0x19];
	[sflag:s13] =	ssyncadd.s32 $0xFFFF9C00  }
0x222: {  	[hbm4b:s1+s2] =	stream.linear.scatter [tilespmem:s12], [sflag:$0x4], $0x6400, $0x38;
	[tilespmem:$0xC800] =	vst v63  }
0x223: {  	_ =	swait.ge [sflag:s5], $0x6400  }
0x224: {  	[sflag:s5] =	ssyncset.done $0x0  }
0x225: {  	s1 =	rddreg [dreg:$0x1a];
	[sflag:s5] =	ssyncadd.s32 $0xFFFF9C00  }
0x226: {  	[tilespmem:s2], [sflag:$0x1] =	stream.linear.gather [hbm4b:s1+s2], $0x6400, $0x38;
	[tilespmem:$0xC800] =	vst v63  }
0x227: {  	_ =	swait.ge [sflag:s6], $0x6400  }
0x228: {  	[sflag:s6] =	ssyncset.done $0x0  }
0x229: {  	s1 =	rddreg [dreg:$0x1b];
	[sflag:s6] =	ssyncadd.s32 $0xFFFF9C00  }
0x22a: {  	[hbm4b:s1+s2] =	stream.linear.scatter [tilespmem:s2], [sflag:$0x3], $0x6400, $0x38;
	[tilespmem:$0xC800] =	vst v63  }
0x22b: {  	_ =	swait.ge [sflag:s7], $0x6400  }
0x22c: {  	[sflag:s7] =	ssyncset.done $0x0  }
0x22d: {  	s1 =	rddreg [dreg:$0x1c];
	[sflag:s7] =	ssyncadd.s32 $0xFFFF9C00  }
0x22e: {  	[tilespmem:s12], [sflag:$0x2] =	stream.linear.gather [hbm4b:s1+s2], $0x6400, $0x38;
	[tilespmem:$0xC800] =	vst v63  }
0x22f: {  	_ =	swait.ge [sflag:s13], $0x6400  }
0x230: {  	[sflag:s13] =	ssyncset.done $0x0  }
0x231: {  	[sflag:s13] =	ssyncadd.s32 $0xFFFF9C00  }
0x232: {  	[hbm4b:s31+s2] =	stream.linear.scatter [tilespmem:s12], [sflag:$0x4], $0x6400, $0x38;
	[tilespmem:$0xC800] =	vst v63  }
0x233: {  	_ =	swait.ge [sflag:s5], $0x6400  }
0x234: {  	[sflag:s5] =	ssyncset.done $0x0  }
0x235: {  	[sflag:s5] =	ssyncadd.s32 $0xFFFF9C00  }
0x236: {  	[tilespmem:s2], [sflag:$0x1] =	stream.linear.gather [hbm4b:s30+s2], $0x6400, $0x38;
	[tilespmem:$0xC800] =	vst v63  }
0x237: {  	_ =	swait.ge [sflag:s6], $0x6400  }
0x238: {  	[sflag:s6] =	ssyncset.done $0x0  }
0x239: {  	[sflag:s6] =	ssyncadd.s32 $0xFFFF9C00  }
0x23a: {  	[hbm4b:s29+s2] =	stream.linear.scatter [tilespmem:s2], [sflag:$0x3], $0x6400, $0x38;
	[tilespmem:$0xC800] =	vst v63  }
0x23b: {  	_ =	swait.ge [sflag:s7], $0x6400  }
0x23c: {  	[sflag:s7] =	ssyncset.done $0x0  }
0x23d: {  	[sflag:s7] =	ssyncadd.s32 $0xFFFF9C00  }
0x23e: {  	[tilespmem:s12], [sflag:$0x2] =	stream.linear.gather [hbm4b:s28+s2], $0x6400, $0x38;
	[tilespmem:$0xC800] =	vst v63  }
0x23f: {  	_ =	swait.ge [sflag:s13], $0x6400  }
0x240: {  	[sflag:s13] =	ssyncset.done $0x0  }
0x241: {  	[sflag:s13] =	ssyncadd.s32 $0xFFFF9C00  }
0x242: {  	[hbm4b:s26+s2] =	stream.linear.scatter [tilespmem:s12], [sflag:$0x4], $0x6400, $0x38;
	[tilespmem:$0xC800] =	vst v63  }
0x243: {  	_ =	swait.ge [sflag:s5], $0x6400  }
0x244: {  	[sflag:s5] =	ssyncset.done $0x0  }
0x245: {  	[sflag:s5] =	ssyncadd.s32 $0xFFFF9C00  }
0x246: {  	[tilespmem:s2], [sflag:$0x1] =	stream.linear.gather [hbm4b:s25+s2], $0x6400, $0x38;
	[tilespmem:$0xC800] =	vst v63  }
0x247: {  	_ =	swait.ge [sflag:s6], $0x6400  }
0x248: {  	[sflag:s6] =	ssyncset.done $0x0  }
0x249: {  	[sflag:s6] =	ssyncadd.s32 $0xFFFF9C00  }
0x24a: {  	[hbm4b:s24+s2] =	stream.linear.scatter [tilespmem:s2], [sflag:$0x3], $0x6400, $0x38;
	[tilespmem:$0xC800] =	vst v63  }
0x24b: {  	_ =	swait.ge [sflag:s7], $0x6400  }
0x24c: {  	[sflag:s7] =	ssyncset.done $0x0  }
0x24d: {  	[sflag:s7] =	ssyncadd.s32 $0xFFFF9C00  }
0x24e: {  	[tilespmem:s12], [sflag:$0x2] =	stream.linear.gather [hbm4b:s23+s2], $0x6400, $0x38;
	[tilespmem:$0xC800] =	vst v63  }
0x24f: {  	_ =	swait.ge [sflag:s13], $0x6400  }
0x250: {  	[sflag:s13] =	ssyncset.done $0x0  }
0x251: {  	[sflag:s13] =	ssyncadd.s32 $0xFFFF9C00  }
0x252: {  	[hbm4b:s22+s2] =	stream.linear.scatter [tilespmem:s12], [sflag:$0x4], $0x6400, $0x38;
	[tilespmem:$0xC800] =	vst v63  }
0x253: {  	_ =	swait.ge [sflag:s5], $0x6400  }
0x254: {  	[sflag:s5] =	ssyncset.done $0x0  }
0x255: {  	[sflag:s5] =	ssyncadd.s32 $0xFFFF9C00  }
0x256: {  	[tilespmem:s2], [sflag:$0x1] =	stream.linear.gather [hbm4b:s21+s2], $0x6400, $0x38;
	[tilespmem:$0xC800] =	vst v63  }
0x257: {  	_ =	swait.ge [sflag:s6], $0x6400  }
0x258: {  	[sflag:s6] =	ssyncset.done $0x0  }
0x259: {  	[sflag:s6] =	ssyncadd.s32 $0xFFFF9C00  }
0x25a: {  	[hbm4b:s20+s2] =	stream.linear.scatter [tilespmem:s2], [sflag:$0x3], $0x6400, $0x38;
	[tilespmem:$0xC800] =	vst v63  }
0x25b: {  	_ =	swait.ge [sflag:s7], $0x6400  }
0x25c: {  	[sflag:s7] =	ssyncset.done $0x0  }
0x25d: {  	[sflag:s7] =	ssyncadd.s32 $0xFFFF9C00  }
0x25e: {  	[tilespmem:s12], [sflag:$0x2] =	stream.linear.gather [hbm4b:s19+s2], $0x6400, $0x38;
	[tilespmem:$0xC800] =	vst v63  }
0x25f: {  	_ =	swait.ge [sflag:s13], $0x6400  }
0x260: {  	[sflag:s13] =	ssyncset.done $0x0  }
0x261: {  	[sflag:s13] =	ssyncadd.s32 $0xFFFF9C00  }
0x262: {  	[hbm4b:s18+s2] =	stream.linear.scatter [tilespmem:s12], [sflag:$0x4], $0x6400, $0x38;
	[tilespmem:$0xC800] =	vst v63  }
0x263: {  	_ =	swait.ge [sflag:s5], $0x6400  }
0x264: {  	[sflag:s5] =	ssyncset.done $0x0  }
0x265: {  	[sflag:s5] =	ssyncadd.s32 $0xFFFF9C00  }
0x266: {  	[tilespmem:s2], [sflag:$0x1] =	stream.linear.gather [hbm4b:s17+s2], $0x6400, $0x38;
	[tilespmem:$0xC800] =	vst v63  }
0x267: {  	_ =	swait.ge [sflag:s6], $0x6400  }
0x268: {  	[sflag:s6] =	ssyncset.done $0x0  }
0x269: {  	[sflag:s6] =	ssyncadd.s32 $0xFFFF9C00  }
0x26a: {  	[hbm4b:s16+s2] =	stream.linear.scatter [tilespmem:s2], [sflag:$0x3], $0x6400, $0x38;
	[tilespmem:$0xC800] =	vst v63  }
0x26b: {  	_ =	swait.ge [sflag:s7], $0x6400  }
0x26c: {  	[sflag:s7] =	ssyncset.done $0x0  }
0x26d: {  	[sflag:s7] =	ssyncadd.s32 $0xFFFF9C00  }
0x26e: {  	[tilespmem:s12], [sflag:$0x2] =	stream.linear.gather [hbm4b:s15+s2], $0x6400, $0x38;
	[tilespmem:$0xC800] =	vst v63  }
0x26f: {  	_ =	swait.ge [sflag:s13], $0x6400  }
0x270: {  	[sflag:s13] =	ssyncset.done $0x0  }
0x271: {  	[sflag:s13] =	ssyncadd.s32 $0xFFFF9C00  }
0x272: {  	[hbm4b:s14+s2] =	stream.linear.scatter [tilespmem:s12], [sflag:$0x4], $0x6400, $0x38;
	[tilespmem:$0xC800] =	vst v63  }
0x273: {  	_ =	swait.ge [sflag:s5], $0x6400  }
0x274: {  	[sflag:s5] =	ssyncset.done $0x0  }
0x275: {  	[sflag:s5] =	ssyncadd.s32 $0xFFFF9C00  }
0x276: {  	[tilespmem:s2], [sflag:$0x1] =	stream.linear.gather [hbm4b:s11+s2], $0x6400, $0x38;
	[tilespmem:$0xC800] =	vst v63  }
0x277: {  	_ =	swait.ge [sflag:s6], $0x6400  }
0x278: {  	[sflag:s6] =	ssyncset.done $0x0  }
0x279: {  	[sflag:s6] =	ssyncadd.s32 $0xFFFF9C00  }
0x27a: {  	[hbm4b:s10+s2] =	stream.linear.scatter [tilespmem:s2], [sflag:$0x3], $0x6400, $0x38;
	[tilespmem:$0xC800] =	vst v63  }
0x27b: {  	_ =	swait.ge [sflag:s7], $0x6400  }
0x27c: {  	[sflag:s7] =	ssyncset.done $0x0  }
0x27d: {  	[sflag:s7] =	ssyncadd.s32 $0xFFFF9C00  }
0x27e: {  	[tilespmem:s12], [sflag:$0x2] =	stream.linear.gather [hbm4b:s9+s2], $0x6400, $0x38;
	[tilespmem:$0xC800] =	vst v63  }
0x27f: {  	_ =	swait.ge [sflag:s13], $0x6400  }
0x280: {  	[sflag:s13] =	ssyncset.done $0x0  }
0x281: {  	[sflag:s13] =	ssyncadd.s32 $0xFFFF9C00  }
0x282: {  	[hbm4b:s8+s2] =	stream.linear.scatter [tilespmem:s12], [sflag:$0x4], $0x6400, $0x38;
	[tilespmem:$0xC800] =	vst v63  }
0x283: {  	_ =	swait.ge [sflag:s5], $0x6400  }
0x284: {  	[sflag:s5] =	ssyncset.done $0x0  }
0x285: {  	[sflag:s5] =	ssyncadd.s32 $0xFFFF9C00  }
0x286: {  	[tilespmem:s2], [sflag:$0x1] =	stream.linear.gather [hbm4b:s4+s2], $0x6400, $0x38;
	[tilespmem:$0xC800] =	vst v63  }
0x287: {  	_ =	swait.ge [sflag:s6], $0x6400  }
0x288: {  	[sflag:s6] =	ssyncset.done $0x0  }
0x289: {  	[sflag:s6] =	ssyncadd.s32 $0xFFFF9C00  }
0x28a: {  	[hbm4b:s3+s2] =	stream.linear.scatter [tilespmem:s2], [sflag:$0x3], $0x6400, $0x38;
	[tilespmem:$0xC800] =	vst v63  }
0x28b: {  	_ =	swait.ge [sflag:s7], $0x6400  }
0x28c: {  	[sflag:s7] =	ssyncset.done $0x0  }
0x28d: {  	[sflag:s7] =	ssyncadd.s32 $0xFFFF9C00  }
0x28e: {  	_ =	swait.ge [sflag:s5], $0x6400  }
0x28f: {  	[sflag:s5] =	ssyncset.done $0x0  }
0x290: {  	[sflag:s5] =	ssyncadd.s32 $0xFFFF9C00  }
0x291: {  	_ =	sfence.sel $0x180000  }
0x292: {  	[bflag:$0x0] =	sbarrier.arrive $0xFFFF  }
0x293: {  	_ =	strace $0x90000047  }
0x294: {  	s31 =	stileid.u32;
	[bflag:$0x2] =	sbarrier.arrive $0xFFFF  }
0x295: {  	p0 =	sne.s32 s31, $0x0;
	s0 =	rddreg [dreg:$0x1]  }
0x296: {  	s0 =	sadd.s32 @!p0 $0x100000, s0  }
0x297: {  	[sflag:s0] =	ssyncadd.tile.s32 @!p0 $0x1;
	_ =	shalt  }
.Lfunc_end2:
_tile_overlayer_lowered:
.L_overlay_start_2:
0x298: {  	(tag) =	ssettag $0x2  }
0x299: {  	s0 =	rddreg [dreg:$0x0];
	s2 =	stileid.u32  }
0x29a: {  	s1 =	rddreg [dreg:$0x1];
	p0 =	sne.s32 s2, $0x0  }
0x29b: {  	s3 =	rddreg [dreg:$0x2];
	[bflag:$0x3] =	sbarrier.arrive $0xFFFF;
	s2 =	simm.s32 @!p0 $0x1C05  }
0x29c: {  	[timem:s3], [sflag:s2] =	dma.local @!p0 [hbm:s0], s1  }
0x29d: {  	s0 =	simm.s32 @!p0 $0x5  }
0x29e: {  	_ =	swait.ge @!p0 [sflag:s0], s1  }
0x29f: {  	s1 =	ssub.s32 @!p0 $0x0, s1;
	[sflag:s0] =	ssyncset.done @!p0 $0x0  }
0x2a0: {  	[sflag:s0] =	ssyncadd.s32 @!p0 s1  }
0x2a1: {  	[bflag:$0x3] =	sbarrier.arrive $0xFFFF  }
0x2a2: {  	_ =	shalt  }

</sc_bundles>
